<compile_context>
chip_gen: v7x
topology: tpu7x:2x2x1
jax: 0.10.2.dev20260603
libtpu: 0.0.44.dev20260713+nightly
codegen_flags: <defaults>
</compile_context>

<pallas_src>
import functools

import jax
import jax.numpy as jnp
import numpy as np
from jax import lax
from jax.experimental import pallas as pl
from jax.experimental.pallas import tpu as pltpu
from jax.experimental.pallas import tpu_sc as plsc

N_NODES = 10000
N_EDGES = 320000
D = 128
N_GRAPHS = 256

NC = 2
NS = 16
NW = NC * NS

CHUNK = 128
NCH = 80
E_PER_W = NCH * CHUNK
E_PAD = NW * E_PER_W
NCH_STAGE = 40
ROWS_PER_TILE = 632
N_PAD = NS * ROWS_PER_TILE

_PAD_AR = np.arange(E_PAD - N_EDGES, dtype=np.int32)
_PAD_EDGES = np.stack([_PAD_AR % N_NODES,
                       N_NODES + _PAD_AR % (N_PAD - N_NODES)])


def _sc_edge_agg_body(ei_hbm, x_hbm, zero_hbm, out_hbm,
                      idx_s, idx_d, rows0, rows1, acc, sem_g, sem_s, sem_i):
    cid = lax.axis_index("c")
    sid = lax.axis_index("s")
    wid = cid * NS + sid
    r0 = sid * ROWS_PER_TILE

    pltpu.async_copy(zero_hbm, acc.at[pl.ds(r0, ROWS_PER_TILE)], sem_i)
    pltpu.async_copy(ei_hbm.at[1, pl.ds(wid * NCH, NCH)], idx_d, sem_i)
    pltpu.async_copy(ei_hbm.at[0, pl.ds(wid * NCH, NCH_STAGE)], idx_s, sem_i)
    pltpu.make_async_copy(zero_hbm,
                          acc.at[pl.ds(r0, ROWS_PER_TILE)], sem_i).wait()
    pltpu.make_async_copy(ei_hbm.at[1, pl.ds(wid * NCH, NCH)], idx_d,
                          sem_i).wait()
    pltpu.make_async_copy(ei_hbm.at[0, pl.ds(wid * NCH, NCH_STAGE)], idx_s,
                          sem_i).wait()

    plsc.subcore_barrier()

    def wait_gather(buf):
        pltpu.make_async_copy(x_hbm.at[idx_s.at[0]], buf, sem_g).wait()

    def wait_scatter(buf):
        pltpu.make_async_copy(x_hbm.at[idx_s.at[0]], buf, sem_s).wait()

    pltpu.async_copy(x_hbm.at[idx_s.at[0]], rows0, sem_g)
    pltpu.async_copy(x_hbm.at[idx_s.at[1]], rows1, sem_g)
    for ph in range(NCH // NCH_STAGE):
        dbase = ph * NCH_STAGE

        @pl.loop(0, NCH_STAGE, step=2)
        def _chunk(ci):
            wait_gather(rows0)
            pltpu.async_copy(rows0, acc.at[idx_d.at[dbase + ci]], sem_s,
                             add=True)
            wait_gather(rows1)
            pltpu.async_copy(rows1, acc.at[idx_d.at[dbase + ci + 1]], sem_s,
                             add=True)

            @pl.when(ci + 2 < NCH_STAGE)
            def _():
                wait_scatter(rows0)
                pltpu.async_copy(x_hbm.at[idx_s.at[ci + 2]], rows0, sem_g)
                wait_scatter(rows1)
                pltpu.async_copy(x_hbm.at[idx_s.at[ci + 3]], rows1, sem_g)

        if ph + 1 < NCH // NCH_STAGE:
            pltpu.sync_copy(
                ei_hbm.at[0, pl.ds(wid * NCH + (ph + 1) * NCH_STAGE,
                                   NCH_STAGE)], idx_s)
            wait_scatter(rows0)
            pltpu.async_copy(x_hbm.at[idx_s.at[0]], rows0, sem_g)
            wait_scatter(rows1)
            pltpu.async_copy(x_hbm.at[idx_s.at[1]], rows1, sem_g)
        else:
            wait_scatter(rows0)
            wait_scatter(rows1)

    plsc.subcore_barrier()

    pltpu.sync_copy(acc.at[pl.ds(r0, ROWS_PER_TILE)],
                    out_hbm.at[pl.ds(cid * N_PAD + r0, ROWS_PER_TILE)])


@functools.cache
def _sc_edge_agg():
    return functools.partial(
        pl.kernel,
        out_type=jax.ShapeDtypeStruct((NC * N_PAD, D), jnp.float32),
        mesh=plsc.VectorSubcoreMesh(core_axis_name="c", subcore_axis_name="s",
                                    num_cores=NC, num_subcores=NS),
        scratch_types=[
            pltpu.VMEM((NCH_STAGE, CHUNK), jnp.int32),
            pltpu.VMEM((NCH, CHUNK), jnp.int32),
            pltpu.VMEM((CHUNK, D), jnp.float32),
            pltpu.VMEM((CHUNK, D), jnp.float32),
            pltpu.VMEM_SHARED((N_PAD, D), jnp.float32),
            pltpu.SemaphoreType.DMA,
            pltpu.SemaphoreType.DMA,
            pltpu.SemaphoreType.DMA,
        ],
    )(_sc_edge_agg_body)


BLK = 5000
GRID = N_NODES // BLK


def _tc_fused_body(x_ref, agg_ref, batch_ref, Wm_ref, bm_ref,
                   W1_ref, b1_ref, W2_ref, b2_ref, out_ref, sums, counts):
    i = pl.program_id(0)

    @pl.when(i == 0)
    def _():
        sums[...] = jnp.zeros_like(sums)
        counts[...] = jnp.zeros_like(counts)

    xa = x_ref[...] + agg_ref[0] + agg_ref[1]
    hv = jnp.dot(xa, Wm_ref[...], preferred_element_type=jnp.float32)
    hv = jnp.maximum(hv + bm_ref[...], 0.0)

    seg = batch_ref[0]
    onehot = (lax.broadcasted_iota(jnp.int32, (N_GRAPHS, BLK), 0)
              == seg).astype(jnp.float32)
    sums[...] += jnp.dot(onehot, hv, preferred_element_type=jnp.float32)
    counts[...] += jnp.broadcast_to(
        jnp.sum(onehot, axis=1, keepdims=True), (N_GRAPHS, D))

    @pl.when(i == pl.num_programs(0) - 1)
    def _():
        H = sums[...] / jnp.maximum(counts[...], 1.0)
        h1 = jnp.dot(H, W1_ref[...], preferred_element_type=jnp.float32)
        h1 = jnp.maximum(h1 + b1_ref[...], 0.0)
        Z = jnp.dot(h1, W2_ref[...], preferred_element_type=jnp.float32)
        out_ref[...] = Z + b2_ref[...] + H


_tc_fused = pl.pallas_call(
    _tc_fused_body,
    grid=(GRID,),
    in_specs=[
        pl.BlockSpec((BLK, D), lambda i: (i, 0)),
        pl.BlockSpec((NC, BLK, D), lambda i: (0, i, 0)),
        pl.BlockSpec((1, 1, BLK), lambda i: (i, 0, 0)),
        pl.BlockSpec((D, D), lambda i: (0, 0)),
        pl.BlockSpec((1, D), lambda i: (0, 0)),
        pl.BlockSpec((D, D), lambda i: (0, 0)),
        pl.BlockSpec((1, D), lambda i: (0, 0)),
        pl.BlockSpec((D, D), lambda i: (0, 0)),
        pl.BlockSpec((1, D), lambda i: (0, 0)),
    ],
    out_specs=pl.BlockSpec((N_GRAPHS, D), lambda i: (0, 0)),
    out_shape=jax.ShapeDtypeStruct((N_GRAPHS, D), jnp.float32),
    scratch_shapes=[
        pltpu.VMEM((N_GRAPHS, D), jnp.float32),
        pltpu.VMEM((N_GRAPHS, D), jnp.float32),
    ],
)


def kernel(x, edge_index, batch, W_msg, b_msg, W1, b1, W2, b2):
    ei = jnp.concatenate([edge_index.astype(jnp.int32), _PAD_EDGES], axis=1)
    ei3 = ei.reshape(2, E_PAD // CHUNK, CHUNK)
    zeros = jnp.zeros((ROWS_PER_TILE, D), jnp.float32)

    agg = _sc_edge_agg()(ei3, x, zeros)
    agg = agg.reshape(NC, N_PAD, D)

    batch3 = batch.astype(jnp.int32).reshape(GRID, 1, BLK)
    bm = b_msg.reshape(1, D)
    b1r = b1.reshape(1, D)
    b2r = b2.reshape(1, D)
    return _tc_fused(x, agg, batch3, W_msg, bm, W1, b1r, W2, b2r)

# --- scband reference (transcript-rebuilt; emitter-appended) ---
"""Pipeline reference for scband-stack-16226386444291 (READ-ONLY COPY).

The authoritative reference and input builder live on the scoring server;
editing this copy changes nothing except your own understanding.
"""

import jax, jax.numpy as jnp
import numpy as np

N_NODES = 10000
N_EDGES = 320000
D = 128
N_GRAPHS = 256

def setup_inputs(seed: int = 0) -> dict:
    key = jax.random.key(seed)
    ks = jax.random.split(key, 10)
    x = jax.random.normal(ks[0], (N_NODES, D), dtype=jnp.float32)
    edge_index = jax.random.randint(ks[1], (2, N_EDGES), 0, N_NODES, dtype=jnp.int64)
    batch = jnp.sort(jax.random.randint(ks[2], (N_NODES,), 0, N_GRAPHS, dtype=jnp.int64))
    # message passing weights
    W_msg = jax.random.normal(ks[3], (D, D), dtype=jnp.float32) * (1.0 / np.sqrt(D))
    b_msg = jnp.zeros((D,), dtype=jnp.float32)
    # encoder MLP (n_layers=1 hidden): Linear(D, D) -> relu -> Linear(D, D)
    W1 = jax.random.normal(ks[4], (D, D), dtype=jnp.float32) * (1.0 / np.sqrt(D))
    b1 = jnp.zeros((D,), dtype=jnp.float32)
    W2 = jax.random.normal(ks[5], (D, D), dtype=jnp.float32) * (1.0 / np.sqrt(D))
    b2 = jnp.zeros((D,), dtype=jnp.float32)
    return {"x": x, "edge_index": edge_index, "batch": batch,
            "W_msg": W_msg, "b_msg": b_msg, "W1": W1, "b1": b1, "W2": W2, "b2": b2}

def reference(x, edge_index, batch, W_msg, b_msg, W1, b1, W2, b2):
    src = edge_index[0]
    dst = edge_index[1]
    # message passing: gather neighbor features, scatter-add to dst nodes
    msg = jnp.take(x, src, axis=0)                                   # [E, D] gather
    agg_nb = jax.ops.segment_sum(msg, dst, num_segments=N_NODES)      # [N, D] scatter-add
    H_v = jax.nn.relu((x + agg_nb) @ W_msg + b_msg)                   # [N, D]
    # graph-level aggregation (mean over batch segment ids)
    sums = jax.ops.segment_sum(H_v, batch, num_segments=N_GRAPHS)     # [G, D]
    counts = jax.ops.segment_sum(jnp.ones((N_NODES, 1), dtype=H_v.dtype), batch, num_segments=N_GRAPHS)
    H = sums / jnp.maximum(counts, 1.0)                               # [G, D]
    # bn is Identity (batch_norm=False); X_d is None so no layernorm/concat
    # encoder MLP
    Z = jax.nn.relu(H @ W1 + b1) @ W2 + b2                            # [G, D]
    return Z + H

if __name__ == "__main__":
    import jax
    _d = setup_inputs()
    print(jax.jit(kernel)(*tuple(_d.values())))

</pallas_src>

<mosaic_0001>
#map = affine_map<(d0, d1) -> (0, 0, 0)>
#map1 = affine_map<(d0, d1) -> (0, 0)>
module attributes {stable_mosaic.version = 14 : i64} {
  func.func @_sc_edge_agg_body(%arg0: i32, %arg1: i32, %arg2: memref<2x2560x128xi32, #tpu.memory_space<hbm>>, %arg3: memref<10000x128xf32, #tpu.memory_space<hbm>>, %arg4: memref<632x128xf32, #tpu.memory_space<hbm>>, %arg5: memref<20224x128xf32, #tpu.memory_space<hbm>>, %arg6: memref<40x128xi32, #tpu.memory_space<vmem>>, %arg7: memref<80x128xi32, #tpu.memory_space<vmem>>, %arg8: memref<128x128xf32, #tpu.memory_space<vmem>>, %arg9: memref<128x128xf32, #tpu.memory_space<vmem>>, %arg10: memref<10112x128xf32, #tpu.memory_space<vmem_shared>>, %arg11: memref<!tpu.dma_semaphore, #tpu.memory_space<semaphore_mem>>, %arg12: memref<!tpu.dma_semaphore, #tpu.memory_space<semaphore_mem>>, %arg13: memref<!tpu.dma_semaphore, #tpu.memory_space<semaphore_mem>>) attributes {dimension_semantics = [#tpu.dimension_semantics<core_parallel>, #tpu.dimension_semantics<subcore_parallel>], iteration_bounds = array<i64: 2, 16>, scalar_prefetch = 0 : i64, scratch_operands = 8 : i64, tpu.core_type = #tpu.core_type<sc_vector_subcore>, window_params = [{transform_indices = #map}, {transform_indices = #map1}, {transform_indices = #map1}, {transform_indices = #map1}]} {
    %mul3A = arith.constant 16 : i32
    %mul3A_0 = arith.muli %arg0, %mul3A : i32
    %add3A = arith.addi %mul3A_0, %arg1 : i32
    %mul3A_1 = arith.constant 632 : i32
    %mul3A_2 = arith.muli %arg1, %mul3A_1 : i32
    %dma_start3A = arith.constant 0 : i32
    %dma_start3A_3 = tpu.memref_slice %arg10[%mul3A_2, %dma_start3A] : memref<10112x128xf32, #tpu.memory_space<vmem_shared>> -> memref<632x128xf32, #tpu.memory_space<vmem_shared>>
    tpu.enqueue_dma source(%arg4 : memref<632x128xf32, #tpu.memory_space<hbm>>) target(%dma_start3A_3 : memref<632x128xf32, #tpu.memory_space<vmem_shared>>) target_semaphore(%arg13 : memref<!tpu.dma_semaphore, #tpu.memory_space<semaphore_mem>>)
    %mul3A_4 = arith.constant 80 : i32
    %mul3A_5 = arith.muli %add3A, %mul3A_4 : i32
    %dma_start3A_6 = arith.constant 1 : i32
    %dma_start3A_7 = arith.constant 0 : i32
    %dma_start3A_8 = tpu.memref_slice %arg2[%dma_start3A_6, %mul3A_5, %dma_start3A_7] : memref<2x2560x128xi32, #tpu.memory_space<hbm>> -> memref<1x80x128xi32, #tpu.memory_space<hbm>>
    %dma_start3A_9 = tpu.memref_squeeze %dma_start3A_8 : memref<1x80x128xi32, #tpu.memory_space<hbm>> -> memref<80x128xi32, #tpu.memory_space<hbm>>
    %dma_start3A_10 = arith.constant 0 : i32
    %dma_start3A_11 = tpu.memref_slice %arg2[%dma_start3A_6, %mul3A_5, %dma_start3A_10] : memref<2x2560x128xi32, #tpu.memory_space<hbm>> -> memref<1x80x128xi32, #tpu.memory_space<hbm>>
    %dma_start3A_12 = tpu.memref_squeeze %dma_start3A_11 : memref<1x80x128xi32, #tpu.memory_space<hbm>> -> memref<80x128xi32, #tpu.memory_space<hbm>>
    tpu.enqueue_dma source(%dma_start3A_12 : memref<80x128xi32, #tpu.memory_space<hbm>>) target(%arg7 : memref<80x128xi32, #tpu.memory_space<vmem>>) target_semaphore(%arg13 : memref<!tpu.dma_semaphore, #tpu.memory_space<semaphore_mem>>)
    %mul3A_13 = arith.constant 80 : i32
    %mul3A_14 = arith.muli %add3A, %mul3A_13 : i32
    %dma_start3A_15 = arith.constant 0 : i32
    %dma_start3A_16 = arith.constant 0 : i32
    %dma_start3A_17 = tpu.memref_slice %arg2[%dma_start3A_15, %mul3A_14, %dma_start3A_16] : memref<2x2560x128xi32, #tpu.memory_space<hbm>> -> memref<1x40x128xi32, #tpu.memory_space<hbm>>
    %dma_start3A_18 = tpu.memref_squeeze %dma_start3A_17 : memref<1x40x128xi32, #tpu.memory_space<hbm>> -> memref<40x128xi32, #tpu.memory_space<hbm>>
    %dma_start3A_19 = arith.constant 0 : i32
    %dma_start3A_20 = tpu.memref_slice %arg2[%dma_start3A_15, %mul3A_14, %dma_start3A_19] : memref<2x2560x128xi32, #tpu.memory_space<hbm>> -> memref<1x40x128xi32, #tpu.memory_space<hbm>>
    %dma_start3A_21 = tpu.memref_squeeze %dma_start3A_20 : memref<1x40x128xi32, #tpu.memory_space<hbm>> -> memref<40x128xi32, #tpu.memory_space<hbm>>
    tpu.enqueue_dma source(%dma_start3A_21 : memref<40x128xi32, #tpu.memory_space<hbm>>) target(%arg6 : memref<40x128xi32, #tpu.memory_space<vmem>>) target_semaphore(%arg13 : memref<!tpu.dma_semaphore, #tpu.memory_space<semaphore_mem>>)
    %dma_wait3A = arith.constant 0 : i32
    %dma_wait3A_22 = tpu.memref_slice %arg10[%mul3A_2, %dma_wait3A] : memref<10112x128xf32, #tpu.memory_space<vmem_shared>> -> memref<632x128xf32, #tpu.memory_space<vmem_shared>>
    tpu.wait_dma2 semaphore(%arg13 : memref<!tpu.dma_semaphore, #tpu.memory_space<semaphore_mem>>) src(%arg4 : memref<632x128xf32, #tpu.memory_space<hbm>>) dst(%dma_wait3A_22 : memref<632x128xf32, #tpu.memory_space<vmem_shared>>)
    %mul3A_23 = arith.constant 80 : i32
    %mul3A_24 = arith.muli %add3A, %mul3A_23 : i32
    %dma_wait3A_25 = arith.constant 1 : i32
    %dma_wait3A_26 = arith.constant 0 : i32
    %dma_wait3A_27 = tpu.memref_slice %arg2[%dma_wait3A_25, %mul3A_24, %dma_wait3A_26] : memref<2x2560x128xi32, #tpu.memory_space<hbm>> -> memref<1x80x128xi32, #tpu.memory_space<hbm>>
    %dma_wait3A_28 = tpu.memref_squeeze %dma_wait3A_27 : memref<1x80x128xi32, #tpu.memory_space<hbm>> -> memref<80x128xi32, #tpu.memory_space<hbm>>
    %dma_wait3A_29 = arith.constant 0 : i32
    %dma_wait3A_30 = tpu.memref_slice %arg2[%dma_wait3A_25, %mul3A_24, %dma_wait3A_29] : memref<2x2560x128xi32, #tpu.memory_space<hbm>> -> memref<1x80x128xi32, #tpu.memory_space<hbm>>
    %dma_wait3A_31 = tpu.memref_squeeze %dma_wait3A_30 : memref<1x80x128xi32, #tpu.memory_space<hbm>> -> memref<80x128xi32, #tpu.memory_space<hbm>>
    tpu.wait_dma2 semaphore(%arg13 : memref<!tpu.dma_semaphore, #tpu.memory_space<semaphore_mem>>) src(%dma_wait3A_31 : memref<80x128xi32, #tpu.memory_space<hbm>>) dst(%arg7 : memref<80x128xi32, #tpu.memory_space<vmem>>)
    %mul3A_32 = arith.constant 80 : i32
    %mul3A_33 = arith.muli %add3A, %mul3A_32 : i32
    %dma_wait3A_34 = arith.constant 0 : i32
    %dma_wait3A_35 = arith.constant 0 : i32
    %dma_wait3A_36 = tpu.memref_slice %arg2[%dma_wait3A_34, %mul3A_33, %dma_wait3A_35] : memref<2x2560x128xi32, #tpu.memory_space<hbm>> -> memref<1x40x128xi32, #tpu.memory_space<hbm>>
    %dma_wait3A_37 = tpu.memref_squeeze %dma_wait3A_36 : memref<1x40x128xi32, #tpu.memory_space<hbm>> -> memref<40x128xi32, #tpu.memory_space<hbm>>
    %dma_wait3A_38 = arith.constant 0 : i32
    %dma_wait3A_39 = tpu.memref_slice %arg2[%dma_wait3A_34, %mul3A_33, %dma_wait3A_38] : memref<2x2560x128xi32, #tpu.memory_space<hbm>> -> memref<1x40x128xi32, #tpu.memory_space<hbm>>
    %dma_wait3A_40 = tpu.memref_squeeze %dma_wait3A_39 : memref<1x40x128xi32, #tpu.memory_space<hbm>> -> memref<40x128xi32, #tpu.memory_space<hbm>>
    tpu.wait_dma2 semaphore(%arg13 : memref<!tpu.dma_semaphore, #tpu.memory_space<semaphore_mem>>) src(%dma_wait3A_40 : memref<40x128xi32, #tpu.memory_space<hbm>>) dst(%arg6 : memref<40x128xi32, #tpu.memory_space<vmem>>)
    %barrier3A = arith.constant 0 : index
    tpu.barrier barrier_id(%barrier3A)
    %dma_start3A_41 = arith.constant 0 : i32
    %dma_start3A_42 = arith.constant 0 : i32
    %dma_start3A_43 = tpu.memref_slice %arg6[%dma_start3A_41, %dma_start3A_42] : memref<40x128xi32, #tpu.memory_space<vmem>> -> memref<1x128xi32, #tpu.memory_space<vmem>>
    %dma_start3A_44 = tpu.memref_squeeze %dma_start3A_43 : memref<1x128xi32, #tpu.memory_space<vmem>> -> memref<128xi32, #tpu.memory_space<vmem>>
    %dma_start3A_45 = arith.constant 0 : i32
    %dma_start3A_46 = arith.constant 0 : i32
    %dma_start3A_47 = tpu.memref_slice %arg3[%dma_start3A_45, %dma_start3A_46] : memref<10000x128xf32, #tpu.memory_space<hbm>> -> memref<10000x128xf32, #tpu.memory_space<hbm>>
    tpu.enqueue_indirect_dma source(%dma_start3A_47 : memref<10000x128xf32, #tpu.memory_space<hbm>>) target(%arg8 : memref<128x128xf32, #tpu.memory_space<vmem>>) offsets(%dma_start3A_44 : memref<128xi32, #tpu.memory_space<vmem>>) semaphore(%arg11 : memref<!tpu.dma_semaphore, #tpu.memory_space<semaphore_mem>>)
    %dma_start3A_48 = arith.constant 1 : i32
    %dma_start3A_49 = arith.constant 0 : i32
    %dma_start3A_50 = tpu.memref_slice %arg6[%dma_start3A_48, %dma_start3A_49] : memref<40x128xi32, #tpu.memory_space<vmem>> -> memref<1x128xi32, #tpu.memory_space<vmem>>
    %dma_start3A_51 = tpu.memref_squeeze %dma_start3A_50 : memref<1x128xi32, #tpu.memory_space<vmem>> -> memref<128xi32, #tpu.memory_space<vmem>>
    %dma_start3A_52 = arith.constant 0 : i32
    %dma_start3A_53 = arith.constant 0 : i32
    %dma_start3A_54 = tpu.memref_slice %arg3[%dma_start3A_52, %dma_start3A_53] : memref<10000x128xf32, #tpu.memory_space<hbm>> -> memref<10000x128xf32, #tpu.memory_space<hbm>>
    tpu.enqueue_indirect_dma source(%dma_start3A_54 : memref<10000x128xf32, #tpu.memory_space<hbm>>) target(%arg9 : memref<128x128xf32, #tpu.memory_space<vmem>>) offsets(%dma_start3A_51 : memref<128xi32, #tpu.memory_space<vmem>>) semaphore(%arg11 : memref<!tpu.dma_semaphore, #tpu.memory_space<semaphore_mem>>)
    %scan3A = arith.constant 0 : i32
    %scan3A_55 = arith.constant 20 : i32
    %scan3A_56 = arith.addi %scan3A, %scan3A_55 : i32
    %scan3A_57 = arith.constant 1 : i32
    scf.for %scan3A_114 = %scan3A to %scan3A_56 step %scan3A_57  : i32 {
      %mul3A_115 = arith.constant 2 : i32
      %mul3A_116 = arith.muli %scan3A_114, %mul3A_115 : i32
      %add3A_117 = arith.constant 0 : i32
      %add3A_118 = arith.addi %add3A_117, %mul3A_116 : i32
      %dma_wait3A_119 = arith.constant 0 : i32
      %dma_wait3A_120 = arith.constant 0 : i32
      %dma_wait3A_121 = tpu.memref_slice %arg6[%dma_wait3A_119, %dma_wait3A_120] : memref<40x128xi32, #tpu.memory_space<vmem>> -> memref<1x128xi32, #tpu.memory_space<vmem>>
      %dma_wait3A_122 = tpu.memref_squeeze %dma_wait3A_121 : memref<1x128xi32, #tpu.memory_space<vmem>> -> memref<128xi32, #tpu.memory_space<vmem>>
      %dma_wait3A_123 = arith.constant 0 : i32
      %dma_wait3A_124 = arith.constant 0 : i32
      %dma_wait3A_125 = tpu.memref_slice %arg3[%dma_wait3A_123, %dma_wait3A_124] : memref<10000x128xf32, #tpu.memory_space<hbm>> -> memref<10000x128xf32, #tpu.memory_space<hbm>>
      tpu.wait_indirect_dma semaphore(%arg11 : memref<!tpu.dma_semaphore, #tpu.memory_space<semaphore_mem>>) src(%dma_wait3A_125 : memref<10000x128xf32, #tpu.memory_space<hbm>>) dst(%arg8 : memref<128x128xf32, #tpu.memory_space<vmem>>)
      %add3A_126 = arith.constant 0 : i32
      %add3A_127 = arith.addi %add3A_126, %add3A_118 : i32
      %dma_start3A_128 = arith.constant 0 : i32
      %dma_start3A_129 = tpu.memref_slice %arg7[%add3A_127, %dma_start3A_128] : memref<80x128xi32, #tpu.memory_space<vmem>> -> memref<1x128xi32, #tpu.memory_space<vmem>>
      %dma_start3A_130 = tpu.memref_squeeze %dma_start3A_129 : memref<1x128xi32, #tpu.memory_space<vmem>> -> memref<128xi32, #tpu.memory_space<vmem>>
      %dma_start3A_131 = arith.constant 0 : i32
      %dma_start3A_132 = arith.constant 0 : i32
      %dma_start3A_133 = tpu.memref_slice %arg10[%dma_start3A_131, %dma_start3A_132] : memref<10112x128xf32, #tpu.memory_space<vmem_shared>> -> memref<10112x128xf32, #tpu.memory_space<vmem_shared>>
      tpu.enqueue_indirect_dma source(%arg8 : memref<128x128xf32, #tpu.memory_space<vmem>>) target(%dma_start3A_133 : memref<10112x128xf32, #tpu.memory_space<vmem_shared>>) offsets(%dma_start3A_130 : memref<128xi32, #tpu.memory_space<vmem>>) semaphore(%arg12 : memref<!tpu.dma_semaphore, #tpu.memory_space<semaphore_mem>>) {add = true}
      %dma_wait3A_134 = arith.constant 0 : i32
      %dma_wait3A_135 = arith.constant 0 : i32
      %dma_wait3A_136 = tpu.memref_slice %arg6[%dma_wait3A_134, %dma_wait3A_135] : memref<40x128xi32, #tpu.memory_space<vmem>> -> memref<1x128xi32, #tpu.memory_space<vmem>>
      %dma_wait3A_137 = tpu.memref_squeeze %dma_wait3A_136 : memref<1x128xi32, #tpu.memory_space<vmem>> -> memref<128xi32, #tpu.memory_space<vmem>>
      %dma_wait3A_138 = arith.constant 0 : i32
      %dma_wait3A_139 = arith.constant 0 : i32
      %dma_wait3A_140 = tpu.memref_slice %arg3[%dma_wait3A_138, %dma_wait3A_139] : memref<10000x128xf32, #tpu.memory_space<hbm>> -> memref<10000x128xf32, #tpu.memory_space<hbm>>
      tpu.wait_indirect_dma semaphore(%arg11 : memref<!tpu.dma_semaphore, #tpu.memory_space<semaphore_mem>>) src(%dma_wait3A_140 : memref<10000x128xf32, #tpu.memory_space<hbm>>) dst(%arg9 : memref<128x128xf32, #tpu.memory_space<vmem>>)
      %add3A_141 = arith.constant 0 : i32
      %add3A_142 = arith.addi %add3A_141, %add3A_118 : i32
      %add3A_143 = arith.constant 1 : i32
      %add3A_144 = arith.addi %add3A_142, %add3A_143 : i32
      %dma_start3A_145 = arith.constant 0 : i32
      %dma_start3A_146 = tpu.memref_slice %arg7[%add3A_144, %dma_start3A_145] : memref<80x128xi32, #tpu.memory_space<vmem>> -> memref<1x128xi32, #tpu.memory_space<vmem>>
      %dma_start3A_147 = tpu.memref_squeeze %dma_start3A_146 : memref<1x128xi32, #tpu.memory_space<vmem>> -> memref<128xi32, #tpu.memory_space<vmem>>
      %dma_start3A_148 = arith.constant 0 : i32
      %dma_start3A_149 = arith.constant 0 : i32
      %dma_start3A_150 = tpu.memref_slice %arg10[%dma_start3A_148, %dma_start3A_149] : memref<10112x128xf32, #tpu.memory_space<vmem_shared>> -> memref<10112x128xf32, #tpu.memory_space<vmem_shared>>
      tpu.enqueue_indirect_dma source(%arg9 : memref<128x128xf32, #tpu.memory_space<vmem>>) target(%dma_start3A_150 : memref<10112x128xf32, #tpu.memory_space<vmem_shared>>) offsets(%dma_start3A_147 : memref<128xi32, #tpu.memory_space<vmem>>) semaphore(%arg12 : memref<!tpu.dma_semaphore, #tpu.memory_space<semaphore_mem>>) {add = true}
      %add3A_151 = arith.constant 2 : i32
      %add3A_152 = arith.addi %add3A_118, %add3A_151 : i32
      %lt3A = arith.constant 40 : i32
      %lt3A_153 = arith.cmpi slt, %add3A_152, %lt3A : i32
      %convert_element_type3A = arith.extui %lt3A_153 : i1 to i32
      %cond3A = arith.constant 0 : i32
      %cond3A_154 = arith.cmpi ne, %convert_element_type3A, %cond3A : i32
      scf.if %cond3A_154 {
        %dma_wait3A_155 = arith.constant 0 : i32
        %dma_wait3A_156 = arith.constant 0 : i32
        %dma_wait3A_157 = tpu.memref_slice %arg6[%dma_wait3A_155, %dma_wait3A_156] : memref<40x128xi32, #tpu.memory_space<vmem>> -> memref<1x128xi32, #tpu.memory_space<vmem>>
        %dma_wait3A_158 = tpu.memref_squeeze %dma_wait3A_157 : memref<1x128xi32, #tpu.memory_space<vmem>> -> memref<128xi32, #tpu.memory_space<vmem>>
        %dma_wait3A_159 = arith.constant 0 : i32
        %dma_wait3A_160 = arith.constant 0 : i32
        %dma_wait3A_161 = tpu.memref_slice %arg3[%dma_wait3A_159, %dma_wait3A_160] : memref<10000x128xf32, #tpu.memory_space<hbm>> -> memref<10000x128xf32, #tpu.memory_space<hbm>>
        tpu.wait_indirect_dma semaphore(%arg12 : memref<!tpu.dma_semaphore, #tpu.memory_space<semaphore_mem>>) src(%dma_wait3A_161 : memref<10000x128xf32, #tpu.memory_space<hbm>>) dst(%arg8 : memref<128x128xf32, #tpu.memory_space<vmem>>)
        %add3A_162 = arith.constant 2 : i32
        %add3A_163 = arith.addi %add3A_118, %add3A_162 : i32
        %dma_start3A_164 = arith.constant 0 : i32
        %dma_start3A_165 = tpu.memref_slice %arg6[%add3A_163, %dma_start3A_164] : memref<40x128xi32, #tpu.memory_space<vmem>> -> memref<1x128xi32, #tpu.memory_space<vmem>>
        %dma_start3A_166 = tpu.memref_squeeze %dma_start3A_165 : memref<1x128xi32, #tpu.memory_space<vmem>> -> memref<128xi32, #tpu.memory_space<vmem>>
        %dma_start3A_167 = arith.constant 0 : i32
        %dma_start3A_168 = arith.constant 0 : i32
        %dma_start3A_169 = tpu.memref_slice %arg3[%dma_start3A_167, %dma_start3A_168] : memref<10000x128xf32, #tpu.memory_space<hbm>> -> memref<10000x128xf32, #tpu.memory_space<hbm>>
        tpu.enqueue_indirect_dma source(%dma_start3A_169 : memref<10000x128xf32, #tpu.memory_space<hbm>>) target(%arg8 : memref<128x128xf32, #tpu.memory_space<vmem>>) offsets(%dma_start3A_166 : memref<128xi32, #tpu.memory_space<vmem>>) semaphore(%arg11 : memref<!tpu.dma_semaphore, #tpu.memory_space<semaphore_mem>>)
        %dma_wait3A_170 = arith.constant 0 : i32
        %dma_wait3A_171 = arith.constant 0 : i32
        %dma_wait3A_172 = tpu.memref_slice %arg6[%dma_wait3A_170, %dma_wait3A_171] : memref<40x128xi32, #tpu.memory_space<vmem>> -> memref<1x128xi32, #tpu.memory_space<vmem>>
        %dma_wait3A_173 = tpu.memref_squeeze %dma_wait3A_172 : memref<1x128xi32, #tpu.memory_space<vmem>> -> memref<128xi32, #tpu.memory_space<vmem>>
        %dma_wait3A_174 = arith.constant 0 : i32
        %dma_wait3A_175 = arith.constant 0 : i32
        %dma_wait3A_176 = tpu.memref_slice %arg3[%dma_wait3A_174, %dma_wait3A_175] : memref<10000x128xf32, #tpu.memory_space<hbm>> -> memref<10000x128xf32, #tpu.memory_space<hbm>>
        tpu.wait_indirect_dma semaphore(%arg12 : memref<!tpu.dma_semaphore, #tpu.memory_space<semaphore_mem>>) src(%dma_wait3A_176 : memref<10000x128xf32, #tpu.memory_space<hbm>>) dst(%arg9 : memref<128x128xf32, #tpu.memory_space<vmem>>)
        %add3A_177 = arith.constant 3 : i32
        %add3A_178 = arith.addi %add3A_118, %add3A_177 : i32
        %dma_start3A_179 = arith.constant 0 : i32
        %dma_start3A_180 = tpu.memref_slice %arg6[%add3A_178, %dma_start3A_179] : memref<40x128xi32, #tpu.memory_space<vmem>> -> memref<1x128xi32, #tpu.memory_space<vmem>>
        %dma_start3A_181 = tpu.memref_squeeze %dma_start3A_180 : memref<1x128xi32, #tpu.memory_space<vmem>> -> memref<128xi32, #tpu.memory_space<vmem>>
        %dma_start3A_182 = arith.constant 0 : i32
        %dma_start3A_183 = arith.constant 0 : i32
        %dma_start3A_184 = tpu.memref_slice %arg3[%dma_start3A_182, %dma_start3A_183] : memref<10000x128xf32, #tpu.memory_space<hbm>> -> memref<10000x128xf32, #tpu.memory_space<hbm>>
        tpu.enqueue_indirect_dma source(%dma_start3A_184 : memref<10000x128xf32, #tpu.memory_space<hbm>>) target(%arg9 : memref<128x128xf32, #tpu.memory_space<vmem>>) offsets(%dma_start3A_181 : memref<128xi32, #tpu.memory_space<vmem>>) semaphore(%arg11 : memref<!tpu.dma_semaphore, #tpu.memory_space<semaphore_mem>>)
      } else {
      }
    }
    %scan3A_58 = arith.constant 20 : i32
    %mul3A_59 = arith.constant 80 : i32
    %mul3A_60 = arith.muli %add3A, %mul3A_59 : i32
    %add3A_61 = arith.constant 40 : i32
    %add3A_62 = arith.addi %mul3A_60, %add3A_61 : i32
    %run_scoped3A = arith.constant 0 : i32
    "tpu.region"() ({
      %run_scoped3A_114 = tpu.sem_alloc : memref<!tpu.dma_semaphore, #tpu.memory_space<semaphore_mem>>
      %dma_start3A_115 = arith.constant 0 : i32
      %dma_start3A_116 = tpu.memref_slice %arg2[%run_scoped3A, %add3A_62, %dma_start3A_115] : memref<2x2560x128xi32, #tpu.memory_space<hbm>> -> memref<1x40x128xi32, #tpu.memory_space<hbm>>
      %dma_start3A_117 = tpu.memref_squeeze %dma_start3A_116 : memref<1x40x128xi32, #tpu.memory_space<hbm>> -> memref<40x128xi32, #tpu.memory_space<hbm>>
      %dma_start3A_118 = arith.constant 0 : i32
      %dma_start3A_119 = tpu.memref_slice %arg2[%run_scoped3A, %add3A_62, %dma_start3A_118] : memref<2x2560x128xi32, #tpu.memory_space<hbm>> -> memref<1x40x128xi32, #tpu.memory_space<hbm>>
      %dma_start3A_120 = tpu.memref_squeeze %dma_start3A_119 : memref<1x40x128xi32, #tpu.memory_space<hbm>> -> memref<40x128xi32, #tpu.memory_space<hbm>>
      tpu.enqueue_dma source(%dma_start3A_120 : memref<40x128xi32, #tpu.memory_space<hbm>>) target(%arg6 : memref<40x128xi32, #tpu.memory_space<vmem>>) target_semaphore(%run_scoped3A_114 : memref<!tpu.dma_semaphore, #tpu.memory_space<semaphore_mem>>)
      %dma_wait3A_121 = arith.constant 0 : i32
      %dma_wait3A_122 = tpu.memref_slice %arg2[%run_scoped3A, %add3A_62, %dma_wait3A_121] : memref<2x2560x128xi32, #tpu.memory_space<hbm>> -> memref<1x40x128xi32, #tpu.memory_space<hbm>>
      %dma_wait3A_123 = tpu.memref_squeeze %dma_wait3A_122 : memref<1x40x128xi32, #tpu.memory_space<hbm>> -> memref<40x128xi32, #tpu.memory_space<hbm>>
      %dma_wait3A_124 = arith.constant 0 : i32
      %dma_wait3A_125 = tpu.memref_slice %arg2[%run_scoped3A, %add3A_62, %dma_wait3A_124] : memref<2x2560x128xi32, #tpu.memory_space<hbm>> -> memref<1x40x128xi32, #tpu.memory_space<hbm>>
      %dma_wait3A_126 = tpu.memref_squeeze %dma_wait3A_125 : memref<1x40x128xi32, #tpu.memory_space<hbm>> -> memref<40x128xi32, #tpu.memory_space<hbm>>
      tpu.wait_dma2 semaphore(%run_scoped3A_114 : memref<!tpu.dma_semaphore, #tpu.memory_space<semaphore_mem>>) src(%dma_wait3A_126 : memref<40x128xi32, #tpu.memory_space<hbm>>) dst(%arg6 : memref<40x128xi32, #tpu.memory_space<vmem>>)
      tpu.yield
    }) : () -> ()
    %dma_wait3A_63 = arith.constant 0 : i32
    %dma_wait3A_64 = arith.constant 0 : i32
    %dma_wait3A_65 = tpu.memref_slice %arg6[%dma_wait3A_63, %dma_wait3A_64] : memref<40x128xi32, #tpu.memory_space<vmem>> -> memref<1x128xi32, #tpu.memory_space<vmem>>
    %dma_wait3A_66 = tpu.memref_squeeze %dma_wait3A_65 : memref<1x128xi32, #tpu.memory_space<vmem>> -> memref<128xi32, #tpu.memory_space<vmem>>
    %dma_wait3A_67 = arith.constant 0 : i32
    %dma_wait3A_68 = arith.constant 0 : i32
    %dma_wait3A_69 = tpu.memref_slice %arg3[%dma_wait3A_67, %dma_wait3A_68] : memref<10000x128xf32, #tpu.memory_space<hbm>> -> memref<10000x128xf32, #tpu.memory_space<hbm>>
    tpu.wait_indirect_dma semaphore(%arg12 : memref<!tpu.dma_semaphore, #tpu.memory_space<semaphore_mem>>) src(%dma_wait3A_69 : memref<10000x128xf32, #tpu.memory_space<hbm>>) dst(%arg8 : memref<128x128xf32, #tpu.memory_space<vmem>>)
    %dma_start3A_70 = arith.constant 0 : i32
    %dma_start3A_71 = arith.constant 0 : i32
    %dma_start3A_72 = tpu.memref_slice %arg6[%dma_start3A_70, %dma_start3A_71] : memref<40x128xi32, #tpu.memory_space<vmem>> -> memref<1x128xi32, #tpu.memory_space<vmem>>
    %dma_start3A_73 = tpu.memref_squeeze %dma_start3A_72 : memref<1x128xi32, #tpu.memory_space<vmem>> -> memref<128xi32, #tpu.memory_space<vmem>>
    %dma_start3A_74 = arith.constant 0 : i32
    %dma_start3A_75 = arith.constant 0 : i32
    %dma_start3A_76 = tpu.memref_slice %arg3[%dma_start3A_74, %dma_start3A_75] : memref<10000x128xf32, #tpu.memory_space<hbm>> -> memref<10000x128xf32, #tpu.memory_space<hbm>>
    tpu.enqueue_indirect_dma source(%dma_start3A_76 : memref<10000x128xf32, #tpu.memory_space<hbm>>) target(%arg8 : memref<128x128xf32, #tpu.memory_space<vmem>>) offsets(%dma_start3A_73 : memref<128xi32, #tpu.memory_space<vmem>>) semaphore(%arg11 : memref<!tpu.dma_semaphore, #tpu.memory_space<semaphore_mem>>)
    %dma_wait3A_77 = arith.constant 0 : i32
    %dma_wait3A_78 = arith.constant 0 : i32
    %dma_wait3A_79 = tpu.memref_slice %arg6[%dma_wait3A_77, %dma_wait3A_78] : memref<40x128xi32, #tpu.memory_space<vmem>> -> memref<1x128xi32, #tpu.memory_space<vmem>>
    %dma_wait3A_80 = tpu.memref_squeeze %dma_wait3A_79 : memref<1x128xi32, #tpu.memory_space<vmem>> -> memref<128xi32, #tpu.memory_space<vmem>>
    %dma_wait3A_81 = arith.constant 0 : i32
    %dma_wait3A_82 = arith.constant 0 : i32
    %dma_wait3A_83 = tpu.memref_slice %arg3[%dma_wait3A_81, %dma_wait3A_82] : memref<10000x128xf32, #tpu.memory_space<hbm>> -> memref<10000x128xf32, #tpu.memory_space<hbm>>
    tpu.wait_indirect_dma semaphore(%arg12 : memref<!tpu.dma_semaphore, #tpu.memory_space<semaphore_mem>>) src(%dma_wait3A_83 : memref<10000x128xf32, #tpu.memory_space<hbm>>) dst(%arg9 : memref<128x128xf32, #tpu.memory_space<vmem>>)
    %dma_start3A_84 = arith.constant 1 : i32
    %dma_start3A_85 = arith.constant 0 : i32
    %dma_start3A_86 = tpu.memref_slice %arg6[%dma_start3A_84, %dma_start3A_85] : memref<40x128xi32, #tpu.memory_space<vmem>> -> memref<1x128xi32, #tpu.memory_space<vmem>>
    %dma_start3A_87 = tpu.memref_squeeze %dma_start3A_86 : memref<1x128xi32, #tpu.memory_space<vmem>> -> memref<128xi32, #tpu.memory_space<vmem>>
    %dma_start3A_88 = arith.constant 0 : i32
    %dma_start3A_89 = arith.constant 0 : i32
    %dma_start3A_90 = tpu.memref_slice %arg3[%dma_start3A_88, %dma_start3A_89] : memref<10000x128xf32, #tpu.memory_space<hbm>> -> memref<10000x128xf32, #tpu.memory_space<hbm>>
    tpu.enqueue_indirect_dma source(%dma_start3A_90 : memref<10000x128xf32, #tpu.memory_space<hbm>>) target(%arg9 : memref<128x128xf32, #tpu.memory_space<vmem>>) offsets(%dma_start3A_87 : memref<128xi32, #tpu.memory_space<vmem>>) semaphore(%arg11 : memref<!tpu.dma_semaphore, #tpu.memory_space<semaphore_mem>>)
    %scan3A_91 = arith.constant 0 : i32
    %scan3A_92 = arith.constant 20 : i32
    %scan3A_93 = arith.addi %scan3A_91, %scan3A_92 : i32
    %scan3A_94 = arith.constant 1 : i32
    scf.for %scan3A_114 = %scan3A_91 to %scan3A_93 step %scan3A_94  : i32 {
      %mul3A_115 = arith.constant 2 : i32
      %mul3A_116 = arith.muli %scan3A_114, %mul3A_115 : i32
      %add3A_117 = arith.constant 0 : i32
      %add3A_118 = arith.addi %add3A_117, %mul3A_116 : i32
      %dma_wait3A_119 = arith.constant 0 : i32
      %dma_wait3A_120 = arith.constant 0 : i32
      %dma_wait3A_121 = tpu.memref_slice %arg6[%dma_wait3A_119, %dma_wait3A_120] : memref<40x128xi32, #tpu.memory_space<vmem>> -> memref<1x128xi32, #tpu.memory_space<vmem>>
      %dma_wait3A_122 = tpu.memref_squeeze %dma_wait3A_121 : memref<1x128xi32, #tpu.memory_space<vmem>> -> memref<128xi32, #tpu.memory_space<vmem>>
      %dma_wait3A_123 = arith.constant 0 : i32
      %dma_wait3A_124 = arith.constant 0 : i32
      %dma_wait3A_125 = tpu.memref_slice %arg3[%dma_wait3A_123, %dma_wait3A_124] : memref<10000x128xf32, #tpu.memory_space<hbm>> -> memref<10000x128xf32, #tpu.memory_space<hbm>>
      tpu.wait_indirect_dma semaphore(%arg11 : memref<!tpu.dma_semaphore, #tpu.memory_space<semaphore_mem>>) src(%dma_wait3A_125 : memref<10000x128xf32, #tpu.memory_space<hbm>>) dst(%arg8 : memref<128x128xf32, #tpu.memory_space<vmem>>)
      %add3A_126 = arith.constant 40 : i32
      %add3A_127 = arith.addi %add3A_126, %add3A_118 : i32
      %dma_start3A_128 = arith.constant 0 : i32
      %dma_start3A_129 = tpu.memref_slice %arg7[%add3A_127, %dma_start3A_128] : memref<80x128xi32, #tpu.memory_space<vmem>> -> memref<1x128xi32, #tpu.memory_space<vmem>>
      %dma_start3A_130 = tpu.memref_squeeze %dma_start3A_129 : memref<1x128xi32, #tpu.memory_space<vmem>> -> memref<128xi32, #tpu.memory_space<vmem>>
      %dma_start3A_131 = arith.constant 0 : i32
      %dma_start3A_132 = arith.constant 0 : i32
      %dma_start3A_133 = tpu.memref_slice %arg10[%dma_start3A_131, %dma_start3A_132] : memref<10112x128xf32, #tpu.memory_space<vmem_shared>> -> memref<10112x128xf32, #tpu.memory_space<vmem_shared>>
      tpu.enqueue_indirect_dma source(%arg8 : memref<128x128xf32, #tpu.memory_space<vmem>>) target(%dma_start3A_133 : memref<10112x128xf32, #tpu.memory_space<vmem_shared>>) offsets(%dma_start3A_130 : memref<128xi32, #tpu.memory_space<vmem>>) semaphore(%arg12 : memref<!tpu.dma_semaphore, #tpu.memory_space<semaphore_mem>>) {add = true}
      %dma_wait3A_134 = arith.constant 0 : i32
      %dma_wait3A_135 = arith.constant 0 : i32
      %dma_wait3A_136 = tpu.memref_slice %arg6[%dma_wait3A_134, %dma_wait3A_135] : memref<40x128xi32, #tpu.memory_space<vmem>> -> memref<1x128xi32, #tpu.memory_space<vmem>>
      %dma_wait3A_137 = tpu.memref_squeeze %dma_wait3A_136 : memref<1x128xi32, #tpu.memory_space<vmem>> -> memref<128xi32, #tpu.memory_space<vmem>>
      %dma_wait3A_138 = arith.constant 0 : i32
      %dma_wait3A_139 = arith.constant 0 : i32
      %dma_wait3A_140 = tpu.memref_slice %arg3[%dma_wait3A_138, %dma_wait3A_139] : memref<10000x128xf32, #tpu.memory_space<hbm>> -> memref<10000x128xf32, #tpu.memory_space<hbm>>
      tpu.wait_indirect_dma semaphore(%arg11 : memref<!tpu.dma_semaphore, #tpu.memory_space<semaphore_mem>>) src(%dma_wait3A_140 : memref<10000x128xf32, #tpu.memory_space<hbm>>) dst(%arg9 : memref<128x128xf32, #tpu.memory_space<vmem>>)
      %add3A_141 = arith.constant 40 : i32
      %add3A_142 = arith.addi %add3A_141, %add3A_118 : i32
      %add3A_143 = arith.constant 1 : i32
      %add3A_144 = arith.addi %add3A_142, %add3A_143 : i32
      %dma_start3A_145 = arith.constant 0 : i32
      %dma_start3A_146 = tpu.memref_slice %arg7[%add3A_144, %dma_start3A_145] : memref<80x128xi32, #tpu.memory_space<vmem>> -> memref<1x128xi32, #tpu.memory_space<vmem>>
      %dma_start3A_147 = tpu.memref_squeeze %dma_start3A_146 : memref<1x128xi32, #tpu.memory_space<vmem>> -> memref<128xi32, #tpu.memory_space<vmem>>
      %dma_start3A_148 = arith.constant 0 : i32
      %dma_start3A_149 = arith.constant 0 : i32
      %dma_start3A_150 = tpu.memref_slice %arg10[%dma_start3A_148, %dma_start3A_149] : memref<10112x128xf32, #tpu.memory_space<vmem_shared>> -> memref<10112x128xf32, #tpu.memory_space<vmem_shared>>
      tpu.enqueue_indirect_dma source(%arg9 : memref<128x128xf32, #tpu.memory_space<vmem>>) target(%dma_start3A_150 : memref<10112x128xf32, #tpu.memory_space<vmem_shared>>) offsets(%dma_start3A_147 : memref<128xi32, #tpu.memory_space<vmem>>) semaphore(%arg12 : memref<!tpu.dma_semaphore, #tpu.memory_space<semaphore_mem>>) {add = true}
      %add3A_151 = arith.constant 2 : i32
      %add3A_152 = arith.addi %add3A_118, %add3A_151 : i32
      %lt3A = arith.constant 40 : i32
      %lt3A_153 = arith.cmpi slt, %add3A_152, %lt3A : i32
      %convert_element_type3A = arith.extui %lt3A_153 : i1 to i32
      %cond3A = arith.constant 0 : i32
      %cond3A_154 = arith.cmpi ne, %convert_element_type3A, %cond3A : i32
      scf.if %cond3A_154 {
        %dma_wait3A_155 = arith.constant 0 : i32
        %dma_wait3A_156 = arith.constant 0 : i32
        %dma_wait3A_157 = tpu.memref_slice %arg6[%dma_wait3A_155, %dma_wait3A_156] : memref<40x128xi32, #tpu.memory_space<vmem>> -> memref<1x128xi32, #tpu.memory_space<vmem>>
        %dma_wait3A_158 = tpu.memref_squeeze %dma_wait3A_157 : memref<1x128xi32, #tpu.memory_space<vmem>> -> memref<128xi32, #tpu.memory_space<vmem>>
        %dma_wait3A_159 = arith.constant 0 : i32
        %dma_wait3A_160 = arith.constant 0 : i32
        %dma_wait3A_161 = tpu.memref_slice %arg3[%dma_wait3A_159, %dma_wait3A_160] : memref<10000x128xf32, #tpu.memory_space<hbm>> -> memref<10000x128xf32, #tpu.memory_space<hbm>>
        tpu.wait_indirect_dma semaphore(%arg12 : memref<!tpu.dma_semaphore, #tpu.memory_space<semaphore_mem>>) src(%dma_wait3A_161 : memref<10000x128xf32, #tpu.memory_space<hbm>>) dst(%arg8 : memref<128x128xf32, #tpu.memory_space<vmem>>)
        %add3A_162 = arith.constant 2 : i32
        %add3A_163 = arith.addi %add3A_118, %add3A_162 : i32
        %dma_start3A_164 = arith.constant 0 : i32
        %dma_start3A_165 = tpu.memref_slice %arg6[%add3A_163, %dma_start3A_164] : memref<40x128xi32, #tpu.memory_space<vmem>> -> memref<1x128xi32, #tpu.memory_space<vmem>>
        %dma_start3A_166 = tpu.memref_squeeze %dma_start3A_165 : memref<1x128xi32, #tpu.memory_space<vmem>> -> memref<128xi32, #tpu.memory_space<vmem>>
        %dma_start3A_167 = arith.constant 0 : i32
        %dma_start3A_168 = arith.constant 0 : i32
        %dma_start3A_169 = tpu.memref_slice %arg3[%dma_start3A_167, %dma_start3A_168] : memref<10000x128xf32, #tpu.memory_space<hbm>> -> memref<10000x128xf32, #tpu.memory_space<hbm>>
        tpu.enqueue_indirect_dma source(%dma_start3A_169 : memref<10000x128xf32, #tpu.memory_space<hbm>>) target(%arg8 : memref<128x128xf32, #tpu.memory_space<vmem>>) offsets(%dma_start3A_166 : memref<128xi32, #tpu.memory_space<vmem>>) semaphore(%arg11 : memref<!tpu.dma_semaphore, #tpu.memory_space<semaphore_mem>>)
        %dma_wait3A_170 = arith.constant 0 : i32
        %dma_wait3A_171 = arith.constant 0 : i32
        %dma_wait3A_172 = tpu.memref_slice %arg6[%dma_wait3A_170, %dma_wait3A_171] : memref<40x128xi32, #tpu.memory_space<vmem>> -> memref<1x128xi32, #tpu.memory_space<vmem>>
        %dma_wait3A_173 = tpu.memref_squeeze %dma_wait3A_172 : memref<1x128xi32, #tpu.memory_space<vmem>> -> memref<128xi32, #tpu.memory_space<vmem>>
        %dma_wait3A_174 = arith.constant 0 : i32
        %dma_wait3A_175 = arith.constant 0 : i32
        %dma_wait3A_176 = tpu.memref_slice %arg3[%dma_wait3A_174, %dma_wait3A_175] : memref<10000x128xf32, #tpu.memory_space<hbm>> -> memref<10000x128xf32, #tpu.memory_space<hbm>>
        tpu.wait_indirect_dma semaphore(%arg12 : memref<!tpu.dma_semaphore, #tpu.memory_space<semaphore_mem>>) src(%dma_wait3A_176 : memref<10000x128xf32, #tpu.memory_space<hbm>>) dst(%arg9 : memref<128x128xf32, #tpu.memory_space<vmem>>)
        %add3A_177 = arith.constant 3 : i32
        %add3A_178 = arith.addi %add3A_118, %add3A_177 : i32
        %dma_start3A_179 = arith.constant 0 : i32
        %dma_start3A_180 = tpu.memref_slice %arg6[%add3A_178, %dma_start3A_179] : memref<40x128xi32, #tpu.memory_space<vmem>> -> memref<1x128xi32, #tpu.memory_space<vmem>>
        %dma_start3A_181 = tpu.memref_squeeze %dma_start3A_180 : memref<1x128xi32, #tpu.memory_space<vmem>> -> memref<128xi32, #tpu.memory_space<vmem>>
        %dma_start3A_182 = arith.constant 0 : i32
        %dma_start3A_183 = arith.constant 0 : i32
        %dma_start3A_184 = tpu.memref_slice %arg3[%dma_start3A_182, %dma_start3A_183] : memref<10000x128xf32, #tpu.memory_space<hbm>> -> memref<10000x128xf32, #tpu.memory_space<hbm>>
        tpu.enqueue_indirect_dma source(%dma_start3A_184 : memref<10000x128xf32, #tpu.memory_space<hbm>>) target(%arg9 : memref<128x128xf32, #tpu.memory_space<vmem>>) offsets(%dma_start3A_181 : memref<128xi32, #tpu.memory_space<vmem>>) semaphore(%arg11 : memref<!tpu.dma_semaphore, #tpu.memory_space<semaphore_mem>>)
      } else {
      }
    }
    %scan3A_95 = arith.constant 20 : i32
    %dma_wait3A_96 = arith.constant 0 : i32
    %dma_wait3A_97 = arith.constant 0 : i32
    %dma_wait3A_98 = tpu.memref_slice %arg6[%dma_wait3A_96, %dma_wait3A_97] : memref<40x128xi32, #tpu.memory_space<vmem>> -> memref<1x128xi32, #tpu.memory_space<vmem>>
    %dma_wait3A_99 = tpu.memref_squeeze %dma_wait3A_98 : memref<1x128xi32, #tpu.memory_space<vmem>> -> memref<128xi32, #tpu.memory_space<vmem>>
    %dma_wait3A_100 = arith.constant 0 : i32
    %dma_wait3A_101 = arith.constant 0 : i32
    %dma_wait3A_102 = tpu.memref_slice %arg3[%dma_wait3A_100, %dma_wait3A_101] : memref<10000x128xf32, #tpu.memory_space<hbm>> -> memref<10000x128xf32, #tpu.memory_space<hbm>>
    tpu.wait_indirect_dma semaphore(%arg12 : memref<!tpu.dma_semaphore, #tpu.memory_space<semaphore_mem>>) src(%dma_wait3A_102 : memref<10000x128xf32, #tpu.memory_space<hbm>>) dst(%arg8 : memref<128x128xf32, #tpu.memory_space<vmem>>)
    %dma_wait3A_103 = arith.constant 0 : i32
    %dma_wait3A_104 = arith.constant 0 : i32
    %dma_wait3A_105 = tpu.memref_slice %arg6[%dma_wait3A_103, %dma_wait3A_104] : memref<40x128xi32, #tpu.memory_space<vmem>> -> memref<1x128xi32, #tpu.memory_space<vmem>>
    %dma_wait3A_106 = tpu.memref_squeeze %dma_wait3A_105 : memref<1x128xi32, #tpu.memory_space<vmem>> -> memref<128xi32, #tpu.memory_space<vmem>>
    %dma_wait3A_107 = arith.constant 0 : i32
    %dma_wait3A_108 = arith.constant 0 : i32
    %dma_wait3A_109 = tpu.memref_slice %arg3[%dma_wait3A_107, %dma_wait3A_108] : memref<10000x128xf32, #tpu.memory_space<hbm>> -> memref<10000x128xf32, #tpu.memory_space<hbm>>
    tpu.wait_indirect_dma semaphore(%arg12 : memref<!tpu.dma_semaphore, #tpu.memory_space<semaphore_mem>>) src(%dma_wait3A_109 : memref<10000x128xf32, #tpu.memory_space<hbm>>) dst(%arg9 : memref<128x128xf32, #tpu.memory_space<vmem>>)
    %barrier3A_110 = arith.constant 0 : index
    tpu.barrier barrier_id(%barrier3A_110)
    %mul3A_111 = arith.constant 10112 : i32
    %mul3A_112 = arith.muli %arg0, %mul3A_111 : i32
    %add3A_113 = arith.addi %mul3A_112, %mul3A_2 : i32
    "tpu.region"() ({
      %run_scoped3A_114 = tpu.sem_alloc : memref<!tpu.dma_semaphore, #tpu.memory_space<semaphore_mem>>
      %dma_start3A_115 = arith.constant 0 : i32
      %dma_start3A_116 = tpu.memref_slice %arg5[%add3A_113, %dma_start3A_115] : memref<20224x128xf32, #tpu.memory_space<hbm>> -> memref<632x128xf32, #tpu.memory_space<hbm>>
      %dma_start3A_117 = arith.constant 0 : i32
      %dma_start3A_118 = tpu.memref_slice %arg10[%mul3A_2, %dma_start3A_117] : memref<10112x128xf32, #tpu.memory_space<vmem_shared>> -> memref<632x128xf32, #tpu.memory_space<vmem_shared>>
      tpu.enqueue_dma source(%dma_start3A_118 : memref<632x128xf32, #tpu.memory_space<vmem_shared>>) target(%dma_start3A_116 : memref<632x128xf32, #tpu.memory_space<hbm>>) target_semaphore(%run_scoped3A_114 : memref<!tpu.dma_semaphore, #tpu.memory_space<semaphore_mem>>)
      %dma_wait3A_119 = arith.constant 0 : i32
      %dma_wait3A_120 = tpu.memref_slice %arg5[%add3A_113, %dma_wait3A_119] : memref<20224x128xf32, #tpu.memory_space<hbm>> -> memref<632x128xf32, #tpu.memory_space<hbm>>
      %dma_wait3A_121 = arith.constant 0 : i32
      %dma_wait3A_122 = tpu.memref_slice %arg10[%mul3A_2, %dma_wait3A_121] : memref<10112x128xf32, #tpu.memory_space<vmem_shared>> -> memref<632x128xf32, #tpu.memory_space<vmem_shared>>
      tpu.wait_dma2 semaphore(%run_scoped3A_114 : memref<!tpu.dma_semaphore, #tpu.memory_space<semaphore_mem>>) src(%dma_wait3A_122 : memref<632x128xf32, #tpu.memory_space<vmem_shared>>) dst(%dma_wait3A_120 : memref<632x128xf32, #tpu.memory_space<hbm>>)
      tpu.yield
    }) : () -> ()
    return
  }
}

module attributes {stable_mosaic.version = 14 : i64} {
  func.func @_tc_fused_body(%arg0: i32, %arg1: memref<5000x128xf32, #tpu.memory_space<vmem>>, %arg2: memref<2x5000x128xf32, #tpu.memory_space<vmem>>, %arg3: memref<1x1x5000xi32, #tpu.memory_space<vmem>>, %arg4: memref<128x128xf32, #tpu.memory_space<vmem>>, %arg5: memref<1x128xf32, #tpu.memory_space<vmem>>, %arg6: memref<128x128xf32, #tpu.memory_space<vmem>>, %arg7: memref<1x128xf32, #tpu.memory_space<vmem>>, %arg8: memref<128x128xf32, #tpu.memory_space<vmem>>, %arg9: memref<1x128xf32, #tpu.memory_space<vmem>>, %arg10: memref<256x128xf32, #tpu.memory_space<vmem>>, %arg11: memref<256x128xf32, #tpu.memory_space<vmem>>, %arg12: memref<256x128xf32, #tpu.memory_space<vmem>>) attributes {dimension_semantics = [#tpu.dimension_semantics<arbitrary>], iteration_bounds = array<i64: 2>, scalar_prefetch = 0 : i64, scratch_operands = 2 : i64, tpu.core_type = #tpu.core_type<tc>, window_params = [{transform_indices = @transform_0, window_bounds = array<i64: 5000, 128>}, {transform_indices = @transform_1, window_bounds = array<i64: 2, 5000, 128>}, {transform_indices = @transform_2, window_bounds = array<i64: 1, 1, 5000>}, {pipeline_mode = #tpu.pipeline_mode<synchronous>, transform_indices = @transform_3, window_bounds = array<i64: 128, 128>}, {pipeline_mode = #tpu.pipeline_mode<synchronous>, transform_indices = @transform_4, window_bounds = array<i64: 1, 128>}, {pipeline_mode = #tpu.pipeline_mode<synchronous>, transform_indices = @transform_5, window_bounds = array<i64: 128, 128>}, {pipeline_mode = #tpu.pipeline_mode<synchronous>, transform_indices = @transform_6, window_bounds = array<i64: 1, 128>}, {pipeline_mode = #tpu.pipeline_mode<synchronous>, transform_indices = @transform_7, window_bounds = array<i64: 128, 128>}, {pipeline_mode = #tpu.pipeline_mode<synchronous>, transform_indices = @transform_8, window_bounds = array<i64: 1, 128>}, {pipeline_mode = #tpu.pipeline_mode<synchronous>, transform_indices = @transform_9, window_bounds = array<i64: 256, 128>}]} {
    %eq3A = arith.constant 0 : i32
    %eq3A_0 = arith.cmpi eq, %arg0, %eq3A : i32
    %convert_element_type3A = arith.extui %eq3A_0 : i1 to i32
    %cond3A = arith.constant 0 : i32
    %cond3A_1 = arith.cmpi ne, %convert_element_type3A, %cond3A : i32
    scf.if %cond3A_1 {
      %broadcast_in_dim3A_58 = arith.constant 0.000000e+00 : f32
      %broadcast_in_dim3A_59 = vector.broadcast %broadcast_in_dim3A_58 : f32 to vector<256x128xf32>
      %swap3A_60 = arith.constant 0 : index
      %swap3A_61 = arith.constant 0 : index
      %swap3A_62 = vector.load %arg11[%swap3A_60, %swap3A_61] : memref<256x128xf32, #tpu.memory_space<vmem>>, vector<256x128xf32>
      tpu.vector_store %arg11[%swap3A_60, %swap3A_61], %broadcast_in_dim3A_59 {strides = array<i32>} : memref<256x128xf32, #tpu.memory_space<vmem>>, vector<256x128xf32>,
      %broadcast_in_dim3A_63 = arith.constant 0.000000e+00 : f32
      %broadcast_in_dim3A_64 = vector.broadcast %broadcast_in_dim3A_63 : f32 to vector<256x128xf32>
      %swap3A_65 = arith.constant 0 : index
      %swap3A_66 = arith.constant 0 : index
      %swap3A_67 = vector.load %arg12[%swap3A_65, %swap3A_66] : memref<256x128xf32, #tpu.memory_space<vmem>>, vector<256x128xf32>
      tpu.vector_store %arg12[%swap3A_65, %swap3A_66], %broadcast_in_dim3A_64 {strides = array<i32>} : memref<256x128xf32, #tpu.memory_space<vmem>>, vector<256x128xf32>,
    } else {
    }
    %get3A = arith.constant 0 : index
    %get3A_2 = arith.constant 0 : index
    %get3A_3 = vector.load %arg1[%get3A, %get3A_2] : memref<5000x128xf32, #tpu.memory_space<vmem>>, vector<5000x128xf32>
    %get3A_4 = arith.constant 0 : index
    %get3A_5 = arith.constant 0 : index
    %get3A_6 = arith.constant 0 : index
    %get3A_7 = vector.load %arg2[%get3A_4, %get3A_5, %get3A_6] : memref<2x5000x128xf32, #tpu.memory_space<vmem>>, vector<1x5000x128xf32>
    %get3A_8 = vector.shape_cast %get3A_7 : vector<1x5000x128xf32> to vector<5000x128xf32>
    %add3A = arith.addf %get3A_3, %get3A_8 : vector<5000x128xf32>
    %get3A_9 = arith.constant 1 : index
    %get3A_10 = arith.constant 0 : index
    %get3A_11 = arith.constant 0 : index
    %get3A_12 = vector.load %arg2[%get3A_9, %get3A_10, %get3A_11] : memref<2x5000x128xf32, #tpu.memory_space<vmem>>, vector<1x5000x128xf32>
    %get3A_13 = vector.shape_cast %get3A_12 : vector<1x5000x128xf32> to vector<5000x128xf32>
    %add3A_14 = arith.addf %add3A, %get3A_13 : vector<5000x128xf32>
    %get3A_15 = arith.constant 0 : index
    %get3A_16 = arith.constant 0 : index
    %get3A_17 = vector.load %arg4[%get3A_15, %get3A_16] : memref<128x128xf32, #tpu.memory_space<vmem>>, vector<128x128xf32>
    %dot_general3A = arith.constant dense<0.000000e+00> : vector<5000x128xf32>
    %dot_general3A_18 = tpu.matmul %add3A_14, %get3A_17, %dot_general3A {dimension_numbers = #tpu.dot_dimension_numbers<[1], [0], [0], [1], [0, 0, 1, 1], [], []>, transpose_lhs_hint = false} : vector<5000x128xf32>, vector<128x128xf32>, vector<5000x128xf32> -> vector<5000x128xf32>
    %get3A_19 = arith.constant 0 : index
    %get3A_20 = arith.constant 0 : index
    %get3A_21 = vector.load %arg5[%get3A_19, %get3A_20] : memref<1x128xf32, #tpu.memory_space<vmem>>, vector<1x128xf32>
    %add3A_22 = vector.broadcast %get3A_21 : vector<1x128xf32> to vector<5000x128xf32>
    %add3A_23 = arith.addf %dot_general3A_18, %add3A_22 : vector<5000x128xf32>
    %max3A = arith.constant 0.000000e+00 : f32
    %max3A_24 = vector.broadcast %max3A : f32 to vector<5000x128xf32>
    %max3A_25 = arith.maximumf %add3A_23, %max3A_24 : vector<5000x128xf32>
    %get3A_26 = arith.constant 0 : index
    %get3A_27 = arith.constant 0 : index
    %get3A_28 = arith.constant 0 : index
    %get3A_29 = vector.load %arg3[%get3A_26, %get3A_27, %get3A_28] : memref<1x1x5000xi32, #tpu.memory_space<vmem>>, vector<1x1x5000xi32>
    %get3A_30 = vector.shape_cast %get3A_29 : vector<1x1x5000xi32> to vector<1x5000xi32>
    %iota3A = tpu.iota {dimensions = array<i32: 0>} : vector<256x5000xi32>
    %eq3A_31 = vector.broadcast %get3A_30 : vector<1x5000xi32> to vector<256x5000xi32>
    %eq3A_32 = arith.cmpi eq, %iota3A, %eq3A_31 : vector<256x5000xi32>
    %convert_element_type3A_33 = arith.extui %eq3A_32 : vector<256x5000xi1> to vector<256x5000xi32>
    %convert_element_type3A_34 = arith.sitofp %convert_element_type3A_33 : vector<256x5000xi32> to vector<256x5000xf32>
    %get3A_35 = arith.constant 0 : index
    %get3A_36 = arith.constant 0 : index
    %get3A_37 = vector.load %arg11[%get3A_35, %get3A_36] : memref<256x128xf32, #tpu.memory_space<vmem>>, vector<256x128xf32>
    %dot_general3A_38 = arith.constant dense<0.000000e+00> : vector<256x128xf32>
    %dot_general3A_39 = tpu.matmul %convert_element_type3A_34, %max3A_25, %dot_general3A_38 {dimension_numbers = #tpu.dot_dimension_numbers<[1], [0], [0], [1], [0, 0, 1, 1], [], []>, transpose_lhs_hint = false} : vector<256x5000xf32>, vector<5000x128xf32>, vector<256x128xf32> -> vector<256x128xf32>
    %add3A_40 = arith.addf %get3A_37, %dot_general3A_39 : vector<256x128xf32>
    %swap3A = arith.constant 0 : index
    %swap3A_41 = arith.constant 0 : index
    %swap3A_42 = vector.load %arg11[%swap3A, %swap3A_41] : memref<256x128xf32, #tpu.memory_space<vmem>>, vector<256x128xf32>
    tpu.vector_store %arg11[%swap3A, %swap3A_41], %add3A_40 {strides = array<i32>} : memref<256x128xf32, #tpu.memory_space<vmem>>, vector<256x128xf32>,
    %get3A_43 = arith.constant 0 : index
    %get3A_44 = arith.constant 0 : index
    %get3A_45 = vector.load %arg12[%get3A_43, %get3A_44] : memref<256x128xf32, #tpu.memory_space<vmem>>, vector<256x128xf32>
    %reduce_sum3A = arith.constant dense<0.000000e+00> : vector<256xf32>
    %reduce_sum3A_46 = vector.multi_reduction <add>, %convert_element_type3A_34, %reduce_sum3A [1] : vector<256x5000xf32> to vector<256xf32>
    %broadcast_in_dim3A = vector.shape_cast %reduce_sum3A_46 : vector<256xf32> to vector<256x1xf32>
    %broadcast_in_dim3A_47 = vector.shape_cast %broadcast_in_dim3A : vector<256x1xf32> to vector<256x1xf32>
    %broadcast_in_dim3A_48 = vector.broadcast %broadcast_in_dim3A_47 : vector<256x1xf32> to vector<256x128xf32>
    %add3A_49 = arith.addf %get3A_45, %broadcast_in_dim3A_48 : vector<256x128xf32>
    %swap3A_50 = arith.constant 0 : index
    %swap3A_51 = arith.constant 0 : index
    %swap3A_52 = vector.load %arg12[%swap3A_50, %swap3A_51] : memref<256x128xf32, #tpu.memory_space<vmem>>, vector<256x128xf32>
    tpu.vector_store %arg12[%swap3A_50, %swap3A_51], %add3A_49 {strides = array<i32>} : memref<256x128xf32, #tpu.memory_space<vmem>>, vector<256x128xf32>,
    %eq3A_53 = arith.constant 1 : i32
    %eq3A_54 = arith.cmpi eq, %arg0, %eq3A_53 : i32
    %convert_element_type3A_55 = arith.extui %eq3A_54 : i1 to i32
    %cond3A_56 = arith.constant 0 : i32
    %cond3A_57 = arith.cmpi ne, %convert_element_type3A_55, %cond3A_56 : i32
    scf.if %cond3A_57 {
      %get3A_58 = arith.constant 0 : index
      %get3A_59 = arith.constant 0 : index
      %get3A_60 = vector.load %arg11[%get3A_58, %get3A_59] : memref<256x128xf32, #tpu.memory_space<vmem>>, vector<256x128xf32>
      %get3A_61 = arith.constant 0 : index
      %get3A_62 = arith.constant 0 : index
      %get3A_63 = vector.load %arg12[%get3A_61, %get3A_62] : memref<256x128xf32, #tpu.memory_space<vmem>>, vector<256x128xf32>
      %max3A_64 = arith.constant 1.000000e+00 : f32
      %max3A_65 = vector.broadcast %max3A_64 : f32 to vector<256x128xf32>
      %max3A_66 = arith.maximumf %get3A_63, %max3A_65 : vector<256x128xf32>
      %div3A = arith.divf %get3A_60, %max3A_66 : vector<256x128xf32>
      %get3A_67 = arith.constant 0 : index
      %get3A_68 = arith.constant 0 : index
      %get3A_69 = vector.load %arg6[%get3A_67, %get3A_68] : memref<128x128xf32, #tpu.memory_space<vmem>>, vector<128x128xf32>
      %dot_general3A_70 = arith.constant dense<0.000000e+00> : vector<256x128xf32>
      %dot_general3A_71 = tpu.matmul %div3A, %get3A_69, %dot_general3A_70 {dimension_numbers = #tpu.dot_dimension_numbers<[1], [0], [0], [1], [0, 0, 1, 1], [], []>, transpose_lhs_hint = false} : vector<256x128xf32>, vector<128x128xf32>, vector<256x128xf32> -> vector<256x128xf32>
      %get3A_72 = arith.constant 0 : index
      %get3A_73 = arith.constant 0 : index
      %get3A_74 = vector.load %arg7[%get3A_72, %get3A_73] : memref<1x128xf32, #tpu.memory_space<vmem>>, vector<1x128xf32>
      %add3A_75 = vector.broadcast %get3A_74 : vector<1x128xf32> to vector<256x128xf32>
      %add3A_76 = arith.addf %dot_general3A_71, %add3A_75 : vector<256x128xf32>
      %max3A_77 = arith.constant 0.000000e+00 : f32
      %max3A_78 = vector.broadcast %max3A_77 : f32 to vector<256x128xf32>
      %max3A_79 = arith.maximumf %add3A_76, %max3A_78 : vector<256x128xf32>
      %get3A_80 = arith.constant 0 : index
      %get3A_81 = arith.constant 0 : index
      %get3A_82 = vector.load %arg8[%get3A_80, %get3A_81] : memref<128x128xf32, #tpu.memory_space<vmem>>, vector<128x128xf32>
      %dot_general3A_83 = arith.constant dense<0.000000e+00> : vector<256x128xf32>
      %dot_general3A_84 = tpu.matmul %max3A_79, %get3A_82, %dot_general3A_83 {dimension_numbers = #tpu.dot_dimension_numbers<[1], [0], [0], [1], [0, 0, 1, 1], [], []>, transpose_lhs_hint = false} : vector<256x128xf32>, vector<128x128xf32>, vector<256x128xf32> -> vector<256x128xf32>
      %get3A_85 = arith.constant 0 : index
      %get3A_86 = arith.constant 0 : index
      %get3A_87 = vector.load %arg9[%get3A_85, %get3A_86] : memref<1x128xf32, #tpu.memory_space<vmem>>, vector<1x128xf32>
      %add3A_88 = vector.broadcast %get3A_87 : vector<1x128xf32> to vector<256x128xf32>
      %add3A_89 = arith.addf %dot_general3A_84, %add3A_88 : vector<256x128xf32>
      %add3A_90 = arith.addf %add3A_89, %div3A : vector<256x128xf32>
      %swap3A_91 = arith.constant 0 : index
      %swap3A_92 = arith.constant 0 : index
      %swap3A_93 = vector.load %arg10[%swap3A_91, %swap3A_92] : memref<256x128xf32, #tpu.memory_space<vmem>>, vector<256x128xf32>
      tpu.vector_store %arg10[%swap3A_91, %swap3A_92], %add3A_90 {strides = array<i32>} : memref<256x128xf32, #tpu.memory_space<vmem>>, vector<256x128xf32>,
    } else {
    }
    return
  }
  func.func @transform_0(%arg0: i32) -> (i32, i32) {
    %c0_i32 = arith.constant 0 : i32
    %c0_i32_0 = arith.constant 0 : i32
    return %arg0, %c0_i32 : i32, i32
  }
  func.func @transform_1(%arg0: i32) -> (i32, i32, i32) {
    %c0_i32 = arith.constant 0 : i32
    %c0_i32_0 = arith.constant 0 : i32
    %c0_i32_1 = arith.constant 0 : i32
    return %c0_i32, %arg0, %c0_i32_0 : i32, i32, i32
  }
  func.func @transform_2(%arg0: i32) -> (i32, i32, i32) {
    %c0_i32 = arith.constant 0 : i32
    %c0_i32_0 = arith.constant 0 : i32
    %c0_i32_1 = arith.constant 0 : i32
    return %arg0, %c0_i32, %c0_i32_0 : i32, i32, i32
  }
  func.func @transform_3(%arg0: i32) -> (i32, i32) {
    %c0_i32 = arith.constant 0 : i32
    %c0_i32_0 = arith.constant 0 : i32
    %c0_i32_1 = arith.constant 0 : i32
    return %c0_i32, %c0_i32_0 : i32, i32
  }
  func.func @transform_4(%arg0: i32) -> (i32, i32) {
    %c0_i32 = arith.constant 0 : i32
    %c0_i32_0 = arith.constant 0 : i32
    %c0_i32_1 = arith.constant 0 : i32
    return %c0_i32, %c0_i32_0 : i32, i32
  }
  func.func @transform_5(%arg0: i32) -> (i32, i32) {
    %c0_i32 = arith.constant 0 : i32
    %c0_i32_0 = arith.constant 0 : i32
    %c0_i32_1 = arith.constant 0 : i32
    return %c0_i32, %c0_i32_0 : i32, i32
  }
  func.func @transform_6(%arg0: i32) -> (i32, i32) {
    %c0_i32 = arith.constant 0 : i32
    %c0_i32_0 = arith.constant 0 : i32
    %c0_i32_1 = arith.constant 0 : i32
    return %c0_i32, %c0_i32_0 : i32, i32
  }
  func.func @transform_7(%arg0: i32) -> (i32, i32) {
    %c0_i32 = arith.constant 0 : i32
    %c0_i32_0 = arith.constant 0 : i32
    %c0_i32_1 = arith.constant 0 : i32
    return %c0_i32, %c0_i32_0 : i32, i32
  }
  func.func @transform_8(%arg0: i32) -> (i32, i32) {
    %c0_i32 = arith.constant 0 : i32
    %c0_i32_0 = arith.constant 0 : i32
    %c0_i32_1 = arith.constant 0 : i32
    return %c0_i32, %c0_i32_0 : i32, i32
  }
  func.func @transform_9(%arg0: i32) -> (i32, i32) {
    %c0_i32 = arith.constant 0 : i32
    %c0_i32_0 = arith.constant 0 : i32
    %c0_i32_1 = arith.constant 0 : i32
    return %c0_i32, %c0_i32_0 : i32, i32
  }
}

</mosaic_0001>

<sc_bundles>
// kernel: kernel.4.cloned.1.call-start
scs
__scs_entry_jumppad:
0x0: {  	(pc) =	sbr.rel $0x88, $3  }
0x1: {  	(tag) =	ssettag $0x0;
	lr =	simm.s32 $0x1  }
0x2: {  	[smem:$0x3F98] =	sst lr;
	_ =	strace $0xD0000000  }
0x3: {  	_ = 	snop  }
0x4: {  	_ = 	snop  }
0x5: {  	_ = 	snop  }
0x6: {  	_ = 	snop  }
0x7: {  	_ = 	snop  }
__scs_overlays_trampoline_lowered:
0x8: {  	[smem:$0x3FA7] =	sst s0  }
0x9: {  	[smem:$0x3FA8] =	sst s1  }
0xa: {  	[smem:$0x3FA9] =	sst s2  }
0xb: {  	[smem:$0x3FAA] =	sst s3  }
0xc: {  	[smem:$0x3FAB] =	sst s4  }
0xd: {  	[smem:$0x3FAC] =	sst s5  }
0xe: {  	[smem:$0x3FAD] =	sst s6  }
0xf: {  	[smem:$0x3FAE] =	sst s7  }
0x10: {  	[smem:$0x3FAF] =	sst s8  }
0x11: {  	[smem:$0x3FB0] =	sst s9;
	s0 =	simm.s32 @!p0 $0x0  }
0x12: {  	s1 =	sld [smem:$0x3F96];
	s0 =	simm.s32 @p0 $0x1  }
0x13: {  	[smem:$0x3FB1] =	sst s0;
	s0 =	simm.s32 @!p1 $0x0  }
0x14: {  	s2 =	sld [smem:$0x3F95];
	s0 =	simm.s32 @p1 $0x1  }
0x15: {  	[smem:$0x3FB2] =	sst s0;
	s0 =	simm.s32 @!p2 $0x0  }
0x16: {  	s3 =	sld [smem:$0x3FDB];
	s0 =	simm.s32 @p2 $0x1  }
0x17: {  	s4 =	simm.s32 $0x1BF5;
	[smem:$0x3FB4] =	sst s0  }
0x18: {  	s0 =	sld [smem:$0x3F97];
	_ =	swait.ge [sflag:s4], $0x0  }
0x19: {  	s7 =	sld [smem:$0x3F98]  }
0x1a: {  	s8 =	sadd.s32 $0xFFFFE003, lr  }
0x1b: {  	s9 =	sadd.s32 $0xFFFFFEF7, lr;
	s5 =	simm.s32 $0xFFFFFFFF;
	p2 =	slt.u32 s8, $0xFFFFF086  }
0x1c: {  	p1 =	slt.u32 s9, $0xF7A;
	s5 =	simm.s32 @!p2 $0x0  }
0x1d: {  	s5 =	simm.s32 @p1 $0x1;
	p0 =	seq.s32 s7, s2  }
0x1e: {  	s7 =	smul.u32 @!p0 $0xF7A, s2;
	p2 =	seq.s32 @!p0 s5, $0x0  }
0x1f: {  	s9 =	smul.u32 $0xF7A, s1;
	s8 =	simm.s32 @!p0 $0x1BF5;
	p2 =	por !p2, p0  }
0x20: {  	[sflag:s8] =	ssyncset.s32 @!p0 $0xFFFFF086;
	s6 =	sadd.s32 @!p0 s3, s7;
	s7 =	simm.s32 @!p0 $0x108  }
0x21: {  	s3 =	sadd.s32 s3, s9;
	s6 =	sadd.s32 @!p0 $0x88, s6;
	s7 =	simm.s32 @p2 $0x1082  }
0x22: {  	[simem:s7], [sflag:s8] =	dma.local @!p0 [hbm:s6], $0xF7A  }
0x23: {  	s9 =	sor.u32 $0xD0000000, s2;
	s6 =	simm.s32 $0x108;
	_ =	swait.ge @!p0 [sflag:s8], $0x0  }
0x24: {  	s3 =	sadd.s32 $0x88, s3;
	s6 =	simm.s32 @!p1 $0x1082;
	[sflag:s4] =	ssyncset.s32 $0xFFFFF086  }
0x25: {  	[simem:s6], [sflag:s4] =	dma.local [hbm:s3], $0xF7A  }
0x26: {  	[smem:$0x3F98] =	sst s1;
	(tag) =	ssettag s2;
	_ =	strace s9  }
0x27: {  	s1 =	sld [smem:$0x3FA8]  }
0x28: {  	s2 =	sld [smem:$0x3FA9]  }
0x29: {  	s4 =	sld [smem:$0x3FAB]  }
0x2a: {  	p0 =	seq.s32 s5, $0x0;
	s5 =	sld [smem:$0x3FAC]  }
0x2b: {  	s6 =	sld [smem:$0x3FAD]  }
0x2c: {  	s7 =	sld [smem:$0x3FAE]  }
0x2d: {  	s3 =	simm.s32 $0x108;
	s8 =	sld [smem:$0x3FAF]  }
0x2e: {  	s3 =	simm.s32 @!p0 $0x1082;
	s9 =	sld [smem:$0x3FB0]  }
0x2f: {  	lr =	sadd.s32 s0, s3;
	s0 =	sld [smem:$0x3FA7]  }
0x30: {  	s3 =	sld [smem:$0x3FAA]  }
0x31: {  	[smem:$0x3FB3] =	sst s10  }
0x32: {  	s10 =	sld [smem:$0x3FB1];
	_ =	sdelay $0x3  }
0x33: {  	p0 =	seq.s32 s10, $0x1;
	s10 =	sld [smem:$0x3FB3];
	_ =	sdelay $0x3  }
0x34: {  	[smem:$0x3FB3] =	sst s10  }
0x35: {  	s10 =	sld [smem:$0x3FB2];
	_ =	sdelay $0x3  }
0x36: {  	p1 =	seq.s32 s10, $0x1;
	s10 =	sld [smem:$0x3FB3];
	_ =	sdelay $0x3  }
0x37: {  	[smem:$0x3FB3] =	sst s10  }
0x38: {  	s10 =	sld [smem:$0x3FB4]  }
0x39: {  	_ = 	snop;
	(pc) =	sbr.ind lr, $3  }
0x3a: {  	_ = 	snop  }
0x3b: {  	_ = 	snop  }
0x3c: {  	p2 =	seq.s32 s10, $0x1;
	s10 =	sld [smem:$0x3FB3]  }
0x3d: {  	_ =	shalt  }
0x3e: {  	_ =	shalt  }
0x3f: {  	_ =	shalt  }
0x40: {  	_ =	shalt  }
0x41: {  	_ =	shalt  }
0x42: {  	_ =	shalt  }
0x43: {  	_ =	shalt  }
0x44: {  	_ =	shalt  }
0x45: {  	_ =	shalt  }
0x46: {  	_ =	shalt  }
0x47: {  	_ =	shalt  }
0x48: {  	_ =	shalt  }
0x49: {  	_ =	shalt  }
0x4a: {  	_ =	shalt  }
0x4b: {  	_ =	shalt  }
0x4c: {  	_ =	shalt  }
0x4d: {  	_ =	shalt  }
0x4e: {  	_ =	shalt  }
0x4f: {  	_ =	shalt  }
0x50: {  	_ =	shalt  }
0x51: {  	_ =	shalt  }
0x52: {  	_ =	shalt  }
0x53: {  	_ =	shalt  }
0x54: {  	_ =	shalt  }
0x55: {  	_ =	shalt  }
0x56: {  	_ =	shalt  }
0x57: {  	_ =	shalt  }
0x58: {  	_ =	shalt  }
0x59: {  	_ =	shalt  }
0x5a: {  	_ =	shalt  }
0x5b: {  	_ =	shalt  }
0x5c: {  	_ =	shalt  }
0x5d: {  	_ =	shalt  }
0x5e: {  	_ =	shalt  }
0x5f: {  	_ =	shalt  }
0x60: {  	_ =	shalt  }
0x61: {  	_ =	shalt  }
0x62: {  	_ =	shalt  }
0x63: {  	_ =	shalt  }
0x64: {  	_ =	shalt  }
0x65: {  	_ =	shalt  }
0x66: {  	_ =	shalt  }
0x67: {  	_ =	shalt  }
0x68: {  	_ =	shalt  }
0x69: {  	_ =	shalt  }
0x6a: {  	_ =	shalt  }
0x6b: {  	_ =	shalt  }
0x6c: {  	_ =	shalt  }
0x6d: {  	_ =	shalt  }
0x6e: {  	_ =	shalt  }
0x6f: {  	_ =	shalt  }
0x70: {  	_ =	shalt  }
0x71: {  	_ =	shalt  }
0x72: {  	_ =	shalt  }
0x73: {  	_ =	shalt  }
0x74: {  	_ =	shalt  }
0x75: {  	_ =	shalt  }
0x76: {  	_ =	shalt  }
0x77: {  	_ =	shalt  }
0x78: {  	_ =	shalt  }
0x79: {  	_ =	shalt  }
0x7a: {  	_ =	shalt  }
0x7b: {  	_ =	shalt  }
0x7c: {  	_ =	shalt  }
0x7d: {  	_ =	shalt  }
0x7e: {  	_ =	shalt  }
0x7f: {  	_ =	shalt  }
0x80: {  	_ =	shalt  }
0x81: {  	_ =	shalt  }
0x82: {  	_ =	shalt  }
0x83: {  	_ =	shalt  }
0x84: {  	_ =	shalt  }
0x85: {  	_ =	shalt  }
0x86: {  	_ =	shalt  }
0x87: {  	_ =	shalt  }
.Lfunc_end0:
.L_simem_size_0:
called_computation_lowered:
.L_overlay_start_0:
0x88: {  	s2 =	sld [smem:$0x3FD9]  }
0x89: {  	s3 =	sld [smem:$0x3FFE];
	_ =	sdelay $0x1  }
0x8a: {  	s1 =	srdreg.scid  }
0x8b: {  	s0 =	sand.u32 $0x1, s1  }
0x8c: {  	s17 =	sshll.u32 s0, $0xA;
	s2 =	sadd.s32 s3, s2  }
0x8d: {  	s2 =	sadd.s32 s2, s17  }
0x8e: {  	[smem:$0x3FBF] =	sst s2  }
0x8f: {  	_ = 	snop  }
0x90: {  	s2 =	sld [smem:$0x3FC9];
	(tm) =	ssettm $0x1  }
0x91: {  	s18 =	sld [smem:$0x3FFB];
	_ =	sdelay $0x3  }
0x92: {  	_ =	strace s18  }
0x93: {  	s3 =	sld [smem:$0x3FFC];
	_ =	sdelay $0x3  }
0x94: {  	_ =	strace s3  }
0x95: {  	s3 =	sld [smem:$0x3FFD];
	_ =	sdelay $0x3  }
0x96: {  	_ =	strace s3  }
0x97: {  	_ =	strace $0x8FFFFFFF  }
0x98: {  	s19 =	sld [smem:$0x3FDB];
	_ =	sdelay $0x1  }
0x99: {  	s4 =	simm.s32 $_scs_section_size  }
0x9a: {  	s5 =	simm.s32 $_size__tile_overlayer_lowered;
	s6 =	simm.s32 $_tile_overlayer_lowered  }
0x9b: {  	s22 =	simm.s32 $0x1BFF;
	s21 =	sshll.u32 s6, $0x1;
	s3 =	sadd.s32 s4, s19  }
0x9c: {  	s7 =	simm.s32 $0x0;
	s20 =	sshll.u32 s5, $0x1;
	s5 =	sadd.s32 s21, s3  }
0x9d: {  	[timem:s7], [sflag:s22] =	dma.local [hbm:s5], s20  }
0x9e: {  	_ =	swait.ge [sflag:s22], s20  }
0x9f: {  	s4 =	ssub.s32 $0x0, s20;
	[sflag:s22] =	ssyncset.done $0x0  }
0xa0: {  	[sflag:s22] =	ssyncadd.s32 s4;
	_ =	sdelay $0x1  }
0xa1: {  	s23 =	simm.s32 $0x1B8B  }
0xa2: {  	_ =	swait.ge [sflag:s23], $0x1  }
0xa3: {  	[sflag:s23] =	ssyncset.done $0x0  }
0xa4: {  	s25 =	simm.s32 $0x1B8E;
	s24 =	sld [smem:$0x3FFE];
	[sflag:s23] =	ssyncadd.s32 $0xFFFFFFFF  }
0xa5: {  	s26 =	simm.s32 $execute0_lowered;
	[smem:$0x3FD2] =	sst s25  }
0xa6: {  	s5 =	sshll.u32 s26, $0x1;
	_ =	strace $0x80000046;
	[dreg:$0x1] =	wrdreg $0xFFFFFFFF  }
0xa7: {  	s28 =	simm.s32 $_size_execute0_lowered;
	s3 =	sadd.s32 s3, s5;
	[dreg:$0x0] =	wrdreg $0x0  }
0xa8: {  	s5 =	sshll.u32 s28, $0x1;
	[dreg:$0x2] =	wrdreg s3  }
0xa9: {  	[dreg:$0x3] =	wrdreg s5  }
0xaa: {  	[dreg:$0x4] =	wrdreg $0xC0  }
0xab: {  	_ =	task [dreg:s7], $0x5FFFF  }
0xac: {  	[dreg:$0x1] =	wrdreg $0xFFFFFFFF  }
0xad: {  	[dreg:$0x0] =	wrdreg $0x60  }
0xae: {  	[dreg:$0x2] =	wrdreg s24  }
0xaf: {  	[dreg:$0x3] =	wrdreg s2  }
0xb0: {  	[dreg:$0x4] =	wrdreg $0xBC000  }
0xb1: {  	[dreg:$0x5] =	wrdreg $0x9  }
0xb2: {  	_ =	task.clear_ibuf [dreg:s7], $0x6FFFF;
	_ =	strace $0x90000046  }
0xb3: {  	s29 =	simm.s32 $0x9;
	_ =	strace $0x80000048  }
0xb4: {  	_ =	swait.ge [sflag:s29], $0x1  }
0xb5: {  	[sflag:s29] =	ssyncadd.s32 $0xFFFFFFFF  }
0xb6: {  	_ =	strace $0x90000048  }
0xb7: {  	_ =	sfence  }
0xb8: {  	s30 =	sld [smem:$0x0];
	_ =	sdelay $0x2  }
0xb9: {  	s31 =	sshll.u32 s1, $0xD;
	s1 =	sshrl.u32 s1, $0x2  }
0xba: {  	s3 =	sand.u32 $0x4000, s31;
	s1 =	sadd.s32 s1, s30  }
0xbb: {  	s0 =	sor.u32 s3, s0;
	s1 =	sshll.u32 s1, $0x11  }
0xbc: {  	s0 =	sor.u32 s1, s0  }
0xbd: {  	s0 =	sadd.s32 $0x8F2B, s0  }
0xbe: {  	[sflag:s0] =	ssyncadd.remote.s32 $0x1  }
0xbf: {  	_ =	sfence.sel $0xFFFF  }
0xc0: {  	[dreg:$0x0] =	wrdreg $0xFFFFFFFF;
	(pc) =	sbr.abs _section_cstart, $3  }
0xc1: {  	[dreg:$0x1] =	wrdreg $0xFFFFFFFF  }
0xc2: {  	_ =	task.clear_ibuf [dreg:s7], $0x2FFFF;
	_ =	strace $0x9FFFFFFF  }
0xc3: {  	(tm) =	ssettm $0x7FFFFFFF  }
tec
execute0_lowered:
.L_overlay_start_1:
0x0: {  	(tag) =	ssettag $0x1  }
0x1: {  	s7 =	rddreg [dreg:$0x0]  }
0x2: {  	s0 =	srdreg.scid;
	s2 =	rddreg [dreg:$0x1]  }
0x3: {  	s3 =	rddreg [dreg:$0x2];
	s4 =	simm.s32 $0x0;
	s14 =	simm.s32 $0x3  }
0x4: {  	s15 =	simm.s32 $0x80;
	s16 =	simm.s32 $0x3C00;
	s17 =	simm.s32 $0x7C00  }
0x5: {  	s18 =	simm.s32 $0x1;
	s19 =	simm.s32 $0x2;
	s20 =	simm.s32 $0x2700  }
0x6: {  	s21 =	simm.s32 $0x2780;
	s6 =	sand.u32 $0x1, s0;
	s0 =	stileid.u32  }
0x7: {  	s22 =	simm.s32 $0x4;
	s23 =	simm.s32 $0x3B00;
	s8 =	smul.u32 $0x2780, s0  }
0x8: {  	s24 =	simm.s32 $0x3B80;
	s26 =	simm.s32 $0x0;
	s9 =	smul.u32 $0x27800, s6  }
0x9: {  	[smem:$0x7FF] =	sst s4;
	s1 =	sshll.u32 s6, $0x4;
	s11 =	smul.u32 $0x4F000, s0  }
0xa: {  	s6 =	ssub.s32 $0x2, s6;
	s25 =	sshll.u32 s0, $0x6;
	s1 =	sor.u32 s0, s1  }
0xb: {  	s29 =	sshrl.u32 s6, $0x1;
	s5 =	smul.u32 $0x2800, s1;
	s1 =	rddreg [dreg:$0x3]  }
0xc: {  	_ =	strace $0x80000047;
	s8 =	sadd.s32 s8, s9;
	s30 =	sshrl.u32 s11, $0x2  }
0xd: {  	s31 =	ssub.s32 s6, s29;
	s6 =	sor.u32 $0x1C03, s25;
	s25 =	sor.u32 $0x1C04, s25  }
0xe: {  	s12 =	sadd.s32 s8, s7;
	s13 =	sadd.s32 s30, s3;
	s5 =	sshrl.u32 s5, $0x3  }
0xf: {  	s11 =	smax.u32 s31, $0x1;
	s10 =	sadd.s32 s5, s7;
	s5 =	sadd.s32 $0x15C00, s7  }
0x10: {  	s7 =	sadd.s32 $0xBC00, s10;
	s8 =	sadd.s32 $0x1C00, s10;
	s9 =	sadd.s32 $0x1E80, s10  }
0x11: {  	s10 =	sadd.s32 $0x18400, s12;
	s12 =	sshrl.u32 s13, $0x3;
	s13 =	simm.s32 $0x1400  }
.LBB2_1:
0x12: {  	[spmem:s12], [sflag:s6] =	dma.local [hbm:s5], $0x2780  }
0x13: {  	[tilespmem:s13], [sflag:$0x3] =	stream.linear.gather [hbm4b:s7+s4], $0x2800, $0x38;
	[tilespmem:$0x1F800] =	vst v63  }
0x14: {  	_ = 	snop  }
0x15: {  	[tilespmem:s4], [sflag:$0x3] =	stream.linear.gather [hbm4b:s8+s4], $0x1400, $0x38;
	[tilespmem:$0x1F800] =	vst v63  }
0x16: {  	_ =	swait.ge [sflag:s14], $0x2780  }
0x17: {  	[sflag:s14] =	ssyncset.done $0x0  }
0x18: {  	[sflag:s14] =	ssyncadd.s32 $0xFFFFD880  }
0x19: {  	_ =	swait.ge [sflag:s14], $0x2800  }
0x1a: {  	[sflag:s14] =	ssyncset.done $0x0  }
0x1b: {  	[sflag:s14] =	ssyncadd.s32 $0xFFFFD800  }
0x1c: {  	_ =	swait.ge [sflag:s14], $0x1400  }
0x1d: {  	[sflag:s14] =	ssyncset.done $0x0  }
0x1e: {  	[sflag:s14] =	ssyncadd.s32 $0xFFFFEC00  }
0x1f: {  	[bflag:$0x0] =	sbarrier.arrive $0xFFFF  }
0x20: {  	[tilespmem:s16], [sflag:$0x1] =	stream.indirect.gather [hbm4b:s2+s15], $0x80, s4, s15, $0xb8;
	[tilespmem:$0x1F800] =	vst v63  }
0x21: {  	_ = 	snop  }
0x22: {  	[tilespmem:s17], [sflag:$0x1] =	stream.indirect.gather [hbm4b:s2+s15], $0x80, s15, s15, $0xb8;
	[tilespmem:$0x1F800] =	vst v63  }
0x23: {  	_ =	swait.ge [sflag:s18], $0x4000  }
0x24: {  	[sflag:s18] =	ssyncset.done $0x0  }
0x25: {  	s28 =	simm.s32 $0x1400;
	[sflag:s18] =	ssyncadd.s32 $0xFFFFC000  }
0x26: {  	[spmem:s3] =	stream.indirect.scatter.add.f32 [tilespmem:s16], [sflag:$0x2], $0x80, s28, s15, $0xb8;
	[tilespmem:$0x1F800] =	vst v63  }
0x27: {  	_ =	swait.ge [sflag:s18], $0x4000  }
0x28: {  	[sflag:s18] =	ssyncset.done $0x0  }
0x29: {  	s28 =	simm.s32 $0x1480;
	[sflag:s18] =	ssyncadd.s32 $0xFFFFC000  }
0x2a: {  	[spmem:s3] =	stream.indirect.scatter.add.f32 [tilespmem:s17], [sflag:$0x2], $0x80, s28, s15, $0xb8;
	[tilespmem:$0x1F800] =	vst v63  }
0x2b: {  	_ =	swait.ge [sflag:s19], $0x4000  }
0x2c: {  	[sflag:s19] =	ssyncset.done $0x0  }
0x2d: {  	s28 =	simm.s32 $0x100;
	[sflag:s19] =	ssyncadd.s32 $0xFFFFC000  }
0x2e: {  	[tilespmem:s16], [sflag:$0x1] =	stream.indirect.gather [hbm4b:s2+s15], $0x80, s28, s15, $0xb8;
	[tilespmem:$0x1F800] =	vst v63  }
0x2f: {  	_ =	swait.ge [sflag:s19], $0x4000  }
0x30: {  	[sflag:s19] =	ssyncset.done $0x0  }
0x31: {  	s29 =	simm.s32 $0x180;
	s28 =	simm.s32 $0x400;
	[sflag:s19] =	ssyncadd.s32 $0xFFFFC000  }
.LBB2_2:
0x32: {  	[tilespmem:s17], [sflag:$0x1] =	stream.indirect.gather [hbm4b:s2+s15], $0x80, s29, s15, $0xb8;
	[tilespmem:$0x1F800] =	vst v63  }
0x33: {  	s29 =	smov.u32 s28  }
0x34: {  	p0 =	sne.s32 s28, $0x4800;
	s28 =	sadd.s32 $0x400, s28;
	_ =	swait.ge [sflag:s18], $0x4000  }
0x35: {  	s29 =	sshra.s32 s29, $0x2;
	[sflag:s18] =	ssyncset.done $0x0  }
0x36: {  	s30 =	sadd.s32 $0x1400, s29;
	[sflag:s18] =	ssyncadd.s32 $0xFFFFC000  }
0x37: {  	[spmem:s3] =	stream.indirect.scatter.add.f32 [tilespmem:s16], [sflag:$0x2], $0x80, s30, s15, $0xb8;
	[tilespmem:$0x1F800] =	vst v63  }
0x38: {  	_ =	swait.ge [sflag:s18], $0x4000  }
0x39: {  	[sflag:s18] =	ssyncset.done $0x0  }
0x3a: {  	s30 =	sadd.s32 $0x1480, s29;
	[sflag:s18] =	ssyncadd.s32 $0xFFFFC000  }
0x3b: {  	[spmem:s3] =	stream.indirect.scatter.add.f32 [tilespmem:s17], [sflag:$0x2], $0x80, s30, s15, $0xb8;
	[tilespmem:$0x1F800] =	vst v63  }
0x3c: {  	_ =	swait.ge [sflag:s19], $0x4000  }
0x3d: {  	[sflag:s19] =	ssyncset.done $0x0  }
.Ltmp0:
0x3e: {  	s30 =	sadd.s32 $0x100, s29;
	[sflag:s19] =	ssyncadd.s32 $0xFFFFC000;
	(pc) =	sbr.rel @p0 .LBB2_2-.Ltmp0, $4  }
0x3f: {  	[tilespmem:s16], [sflag:$0x1] =	stream.indirect.gather [hbm4b:s2+s15], $0x80, s30, s15, $0xb8;
	[tilespmem:$0x1F800] =	vst v63  }
0x40: {  	_ =	swait.ge [sflag:s19], $0x4000  }
0x41: {  	[sflag:s19] =	ssyncset.done $0x0  }
0x42: {  	s29 =	sadd.s32 $0x180, s29;
	[sflag:s19] =	ssyncadd.s32 $0xFFFFC000  }
0x43: {  	[tilespmem:s17], [sflag:$0x1] =	stream.indirect.gather [hbm4b:s2+s15], $0x80, s29, s15, $0xb8;
	[tilespmem:$0x1F800] =	vst v63  }
0x44: {  	_ =	swait.ge [sflag:s18], $0x4000  }
0x45: {  	[sflag:s18] =	ssyncset.done $0x0  }
0x46: {  	[sflag:s18] =	ssyncadd.s32 $0xFFFFC000  }
0x47: {  	[spmem:s3] =	stream.indirect.scatter.add.f32 [tilespmem:s16], [sflag:$0x2], $0x80, s20, s15, $0xb8;
	[tilespmem:$0x1F800] =	vst v63  }
0x48: {  	_ =	swait.ge [sflag:s18], $0x4000  }
0x49: {  	[sflag:s18] =	ssyncset.done $0x0  }
0x4a: {  	[sflag:s18] =	ssyncadd.s32 $0xFFFFC000  }
0x4b: {  	[spmem:s3] =	stream.indirect.scatter.add.f32 [tilespmem:s17], [sflag:$0x2], $0x80, s21, s15, $0xb8;
	[tilespmem:$0x1F800] =	vst v63  }
0x4c: {  	_ = 	snop  }
0x4d: {  	[tilespmem:s4], [sflag:$0x4] =	stream.linear.gather [hbm4b:s9+s4], $0x1400, $0x38;
	[tilespmem:$0x1F800] =	vst v63  }
0x4e: {  	_ =	swait.ge [sflag:s22], $0x1400  }
0x4f: {  	[sflag:s22] =	ssyncset.done $0x0  }
0x50: {  	[sflag:s22] =	ssyncadd.s32 $0xFFFFEC00  }
0x51: {  	_ =	swait.ge [sflag:s19], $0x4000  }
0x52: {  	[sflag:s19] =	ssyncset.done $0x0  }
0x53: {  	[sflag:s19] =	ssyncadd.s32 $0xFFFFC000  }
0x54: {  	[tilespmem:s16], [sflag:$0x1] =	stream.indirect.gather [hbm4b:s2+s15], $0x80, s4, s15, $0xb8;
	[tilespmem:$0x1F800] =	vst v63  }
0x55: {  	_ =	swait.ge [sflag:s19], $0x4000  }
0x56: {  	[sflag:s19] =	ssyncset.done $0x0  }
0x57: {  	[sflag:s19] =	ssyncadd.s32 $0xFFFFC000  }
0x58: {  	[tilespmem:s17], [sflag:$0x1] =	stream.indirect.gather [hbm4b:s2+s15], $0x80, s15, s15, $0xb8;
	[tilespmem:$0x1F800] =	vst v63  }
0x59: {  	_ =	swait.ge [sflag:s18], $0x4000  }
0x5a: {  	[sflag:s18] =	ssyncset.done $0x0  }
0x5b: {  	s28 =	simm.s32 $0x2800;
	[sflag:s18] =	ssyncadd.s32 $0xFFFFC000  }
0x5c: {  	[spmem:s3] =	stream.indirect.scatter.add.f32 [tilespmem:s16], [sflag:$0x2], $0x80, s28, s15, $0xb8;
	[tilespmem:$0x1F800] =	vst v63  }
0x5d: {  	_ =	swait.ge [sflag:s18], $0x4000  }
0x5e: {  	[sflag:s18] =	ssyncset.done $0x0  }
0x5f: {  	s28 =	simm.s32 $0x2880;
	[sflag:s18] =	ssyncadd.s32 $0xFFFFC000  }
0x60: {  	[spmem:s3] =	stream.indirect.scatter.add.f32 [tilespmem:s17], [sflag:$0x2], $0x80, s28, s15, $0xb8;
	[tilespmem:$0x1F800] =	vst v63  }
0x61: {  	_ =	swait.ge [sflag:s19], $0x4000  }
0x62: {  	[sflag:s19] =	ssyncset.done $0x0  }
0x63: {  	s28 =	simm.s32 $0x100;
	[sflag:s19] =	ssyncadd.s32 $0xFFFFC000  }
0x64: {  	[tilespmem:s16], [sflag:$0x1] =	stream.indirect.gather [hbm4b:s2+s15], $0x80, s28, s15, $0xb8;
	[tilespmem:$0x1F800] =	vst v63  }
0x65: {  	_ =	swait.ge [sflag:s19], $0x4000  }
0x66: {  	[sflag:s19] =	ssyncset.done $0x0  }
0x67: {  	s29 =	simm.s32 $0x180;
	s28 =	simm.s32 $0xFFFFB800;
	[sflag:s19] =	ssyncadd.s32 $0xFFFFC000  }
.LBB2_4:
0x68: {  	[tilespmem:s17], [sflag:$0x1] =	stream.indirect.gather [hbm4b:s2+s15], $0x80, s29, s15, $0xb8;
	[tilespmem:$0x1F800] =	vst v63  }
0x69: {  	s29 =	smov.u32 s28  }
0x6a: {  	p0 =	sne.s32 s28, $0xFFFFFC00;
	s28 =	sadd.s32 $0x400, s28;
	_ =	swait.ge [sflag:s18], $0x4000  }
0x6b: {  	s29 =	sshra.s32 s29, $0x2;
	[sflag:s18] =	ssyncset.done $0x0  }
0x6c: {  	s30 =	sadd.s32 $0x3B00, s29;
	[sflag:s18] =	ssyncadd.s32 $0xFFFFC000  }
0x6d: {  	[spmem:s3] =	stream.indirect.scatter.add.f32 [tilespmem:s16], [sflag:$0x2], $0x80, s30, s15, $0xb8;
	[tilespmem:$0x1F800] =	vst v63  }
0x6e: {  	_ =	swait.ge [sflag:s18], $0x4000  }
0x6f: {  	[sflag:s18] =	ssyncset.done $0x0  }
0x70: {  	s30 =	sadd.s32 $0x3B80, s29;
	[sflag:s18] =	ssyncadd.s32 $0xFFFFC000  }
0x71: {  	[spmem:s3] =	stream.indirect.scatter.add.f32 [tilespmem:s17], [sflag:$0x2], $0x80, s30, s15, $0xb8;
	[tilespmem:$0x1F800] =	vst v63  }
0x72: {  	_ =	swait.ge [sflag:s19], $0x4000  }
0x73: {  	[sflag:s19] =	ssyncset.done $0x0  }
.Ltmp1:
0x74: {  	s30 =	sadd.s32 $0x1400, s29;
	[sflag:s19] =	ssyncadd.s32 $0xFFFFC000;
	(pc) =	sbr.rel @p0 .LBB2_4-.Ltmp1, $4  }
0x75: {  	[tilespmem:s16], [sflag:$0x1] =	stream.indirect.gather [hbm4b:s2+s15], $0x80, s30, s15, $0xb8;
	[tilespmem:$0x1F800] =	vst v63  }
0x76: {  	_ =	swait.ge [sflag:s19], $0x4000  }
0x77: {  	[sflag:s19] =	ssyncset.done $0x0  }
0x78: {  	s29 =	sadd.s32 $0x1480, s29;
	[sflag:s19] =	ssyncadd.s32 $0xFFFFC000  }
0x79: {  	[tilespmem:s17], [sflag:$0x1] =	stream.indirect.gather [hbm4b:s2+s15], $0x80, s29, s15, $0xb8;
	[tilespmem:$0x1F800] =	vst v63  }
0x7a: {  	_ =	swait.ge [sflag:s18], $0x4000  }
0x7b: {  	[sflag:s18] =	ssyncset.done $0x0  }
0x7c: {  	[sflag:s18] =	ssyncadd.s32 $0xFFFFC000  }
0x7d: {  	[spmem:s3] =	stream.indirect.scatter.add.f32 [tilespmem:s16], [sflag:$0x2], $0x80, s23, s15, $0xb8;
	[tilespmem:$0x1F800] =	vst v63  }
0x7e: {  	_ =	swait.ge [sflag:s18], $0x4000  }
0x7f: {  	[sflag:s18] =	ssyncset.done $0x0  }
0x80: {  	[sflag:s18] =	ssyncadd.s32 $0xFFFFC000  }
0x81: {  	[spmem:s3] =	stream.indirect.scatter.add.f32 [tilespmem:s17], [sflag:$0x2], $0x80, s24, s15, $0xb8;
	[tilespmem:$0x1F800] =	vst v63  }
0x82: {  	_ =	swait.ge [sflag:s19], $0x4000  }
0x83: {  	[sflag:s19] =	ssyncset.done $0x0  }
0x84: {  	[sflag:s19] =	ssyncadd.s32 $0xFFFFC000  }
0x85: {  	_ =	swait.ge [sflag:s19], $0x4000  }
0x86: {  	s26 =	sadd.s32 $0x1, s26;
	[sflag:s19] =	ssyncset.done $0x0  }
0x87: {  	p0 =	sne.s32 s26, s11;
	[sflag:s19] =	ssyncadd.s32 $0xFFFFC000  }
.Ltmp2:
0x88: {  	[bflag:$0x0] =	sbarrier.arrive $0xFFFF;
	(pc) =	sbr.rel @p0 .LBB2_1-.Ltmp2, $4  }
0x89: {  	[hbm:s10], [sflag:s25] =	dma.local [spmem:s12], $0x2780  }
0x8a: {  	_ =	swait.ge [sflag:s22], $0x2780  }
0x8b: {  	[sflag:s22] =	ssyncset.done $0x0  }
0x8c: {  	[sflag:s22] =	ssyncadd.s32 $0xFFFFD880  }
0x8d: {  	_ =	sfence.sel $0x180000  }
0x8e: {  	[bflag:$0x0] =	sbarrier.arrive $0xFFFF  }
0x8f: {  	p0 =	sne.s32 s0, $0x0;
	_ =	strace $0x90000047  }
0x90: {  	s0 =	sadd.s32 @!p0 $0x100000, s1;
	[bflag:$0x2] =	sbarrier.arrive $0xFFFF  }
0x91: {  	[sflag:s0] =	ssyncadd.tile.s32 @!p0 $0x1;
	_ =	shalt  }
.Lfunc_end2:
_tile_overlayer_lowered:
.L_overlay_start_2:
0x92: {  	(tag) =	ssettag $0x2  }
0x93: {  	s0 =	rddreg [dreg:$0x0];
	s2 =	stileid.u32  }
0x94: {  	s1 =	rddreg [dreg:$0x1];
	p0 =	sne.s32 s2, $0x0  }
0x95: {  	s3 =	rddreg [dreg:$0x2];
	[bflag:$0x3] =	sbarrier.arrive $0xFFFF;
	s2 =	simm.s32 @!p0 $0x1C04  }
0x96: {  	[timem:s3], [sflag:s2] =	dma.local @!p0 [hbm:s0], s1  }
0x97: {  	s0 =	simm.s32 @!p0 $0x4  }
0x98: {  	_ =	swait.ge @!p0 [sflag:s0], s1  }
0x99: {  	s1 =	ssub.s32 @!p0 $0x0, s1;
	[sflag:s0] =	ssyncset.done @!p0 $0x0  }
0x9a: {  	[sflag:s0] =	ssyncadd.s32 @!p0 s1  }
0x9b: {  	[bflag:$0x3] =	sbarrier.arrive $0xFFFF  }
0x9c: {  	_ =	shalt  }

</sc_bundles>
